<compile_context>
chip_gen: v7x
topology: tpu7x:2x2x1
jax: 0.10.2.dev20260603
libtpu: 0.0.44.dev20260713+nightly
codegen_flags: <defaults>
</compile_context>

<pallas_src>
import jax
import jax.numpy as jnp
from jax.experimental import pallas as pl

TOPK = 9
NUM_CLASSES = 80
EPS = 1e-9
IOU_EPS = 1e-7
BIG_I = 1 << 30
INF = float("inf")
NLVL = 3


def _atss_kernel(anc_ref, pdt_ref, gtb_ref, glab_ref, mg_ref,
                 lab_ref, tb_ref, ts_ref, tgt_ref):
    NL = anc_ref.shape[1]
    NMAX = gtb_ref.shape[1]
    f32 = jnp.float32

    gtb = gtb_ref[0]
    gx1 = gtb[:, 0:1]
    gy1 = gtb[:, 1:2]
    gx2 = gtb[:, 2:3]
    gy2 = gtb[:, 3:4]
    lbl_col = glab_ref[0]
    mg_col = mg_ref[0]
    area_gt = (gx2 - gx1) * (gy2 - gy1)
    gcx = (gx1 + gx2) / 2.0
    gcy = (gy1 + gy2) / 2.0

    dn = (((0,), (0,)), ((), ()))

    ax, ay, ov, dist = [], [], [], []
    for l in range(NLVL):
        axl = anc_ref[l:l + 1, :]
        ayl = anc_ref[NLVL + l:NLVL + l + 1, :]
        ax.append(axl)
        ay.append(ayl)
        axm = axl - 0.5
        aym = ayl - 0.5
        axp = axl + 0.5
        ayp = ayl + 0.5
        area_anc = (axp - axm) * (ayp - aym)
        iw = jnp.clip(jnp.minimum(gx2, axp) - jnp.maximum(gx1, axm), 0.0, None)
        ih = jnp.clip(jnp.minimum(gy2, ayp) - jnp.maximum(gy1, aym), 0.0, None)
        inter = iw * ih
        ov.append(inter / (area_gt + area_anc - inter + IOU_EPS))
        dx = gcx - axl
        dy = gcy - ayl
        dist.append(jnp.sqrt(dx * dx + dy * dy))

    d0 = jnp.concatenate(dist, axis=0)
    ova = jnp.concatenate(ov, axis=0)

    dwf = d0
    fvals = []
    for _ in range(TOPK):
        m = jnp.min(dwf, axis=1, keepdims=True)
        rem = dwf == m
        fvals.append(jnp.sum(jnp.where(rem, ova, 0.0), axis=1, keepdims=True))
        dwf = jnp.where(rem, INF, dwf)
    cnt = jnp.sum(jnp.where(dwf == INF, 1.0, 0.0), axis=1, keepdims=True)
    any_tie = jnp.max(jnp.abs(cnt - float(TOPK))) > 0.0

    def _exact(d):
        lane = jax.lax.broadcasted_iota(jnp.int32, d.shape, 1)
        vals = []
        for _ in range(TOPK):
            m = jnp.min(d, axis=1, keepdims=True)
            sel = d == m
            idx = jnp.min(jnp.where(sel, lane, BIG_I), axis=1, keepdims=True)
            rem = lane == idx
            vals.append(jnp.sum(jnp.where(rem, ova, 0.0), axis=1, keepdims=True))
            d = jnp.where(rem, INF, d)
        return d, jnp.concatenate(vals, axis=1)

    dw, g9x = jax.lax.cond(any_tie, _exact,
                           lambda d: (dwf, jnp.concatenate(fvals, axis=1)), d0)
    cand = [dw[l * NMAX:(l + 1) * NMAX] == INF for l in range(NLVL)]
    candf = [jnp.where(c, 1.0, 0.0) for c in cand]

    g27 = jnp.concatenate([g9x[l * NMAX:(l + 1) * NMAX] for l in range(NLVL)],
                          axis=1)
    n_cand = float(NLVL * TOPK)
    s1 = jnp.sum(g27, axis=1, keepdims=True)
    mean = s1 / n_cand
    cen = g27 - mean
    var = jnp.sum(cen * cen, axis=1, keepdims=True) / (n_cand - 1.0)
    thr = mean + jnp.sqrt(var)

    mgb = mg_col > 0
    gtid = jax.lax.broadcasted_iota(jnp.int32, (NMAX, NL), 0)
    cls = jax.lax.broadcasted_iota(jnp.int32, (NMAX, NUM_CLASSES), 1)
    onehot_lbl = jnp.where(cls == lbl_col, 1.0, 0.0)
    lbl_f = lbl_col.astype(f32)

    for l in range(NLVL):
        is_pos = cand[l] & (ov[l] > thr)
        dmin = jnp.minimum(jnp.minimum(ax[l] - gx1, ay[l] - gy1),
                           jnp.minimum(gx2 - ax[l], gy2 - ay[l]))
        mask1 = is_pos & (dmin > EPS) & mgb

        m1f = jnp.where(mask1, 1.0, 0.0)
        fg1 = jnp.sum(m1f, axis=0, keepdims=True)
        multi = fg1 > 1.0
        mx = jnp.max(ov[l], axis=0, keepdims=True)
        amin = jnp.min(jnp.where(ov[l] == mx, gtid, BIG_I), axis=0, keepdims=True)
        is_max = gtid == amin
        mask2 = (multi & is_max) | ((~multi) & mask1)
        m2f = jnp.where(mask2, 1.0, 0.0)
        fg2 = jnp.sum(m2f, axis=0, keepdims=True)
        tgt = jnp.sum(m2f * gtid.astype(f32), axis=0, keepdims=True).astype(jnp.int32)
        oh_t = jnp.where(gtid == tgt, 1.0, 0.0)

        px1 = pdt_ref[0, 0 * NLVL + l:0 * NLVL + l + 1, :]
        py1 = pdt_ref[0, 1 * NLVL + l:1 * NLVL + l + 1, :]
        px2 = pdt_ref[0, 2 * NLVL + l:2 * NLVL + l + 1, :]
        py2 = pdt_ref[0, 3 * NLVL + l:3 * NLVL + l + 1, :]
        piw = jnp.clip(jnp.minimum(gx2, px2) - jnp.maximum(gx1, px1), 0.0, None)
        pih = jnp.clip(jnp.minimum(gy2, py2) - jnp.maximum(gy1, py1), 0.0, None)
        pinter = piw * pih
        parea = (px2 - px1) * (py2 - py1)
        piou = pinter / (area_gt + parea - pinter + IOU_EPS)
        vmax = jnp.max(piou * m2f, axis=0, keepdims=True)

        lbl_sel = jnp.sum(oh_t * lbl_f, axis=0, keepdims=True)
        labels = jnp.where(fg2 > 0, lbl_sel.astype(jnp.int32), NUM_CLASSES)
        tb = jax.lax.dot_general(oh_t, gtb, dn, preferred_element_type=f32)
        ts = jax.lax.dot_general(m2f * vmax, onehot_lbl, dn,
                                 preferred_element_type=f32)
        lab_ref[0, l] = labels
        tgt_ref[0, l] = tgt
        tb_ref[0, l] = tb
        ts_ref[0, l] = ts


def kernel(pd_scores, pd_bboxes, anc_points, gt_labels, gt_bboxes, mask_gt):
    bs, A, _ = pd_bboxes.shape
    nmax = gt_bboxes.shape[1]
    nl = A // NLVL
    anc_t = anc_points.T.reshape(2 * NLVL, nl)
    pd_t = pd_bboxes.transpose(0, 2, 1).reshape(bs, 4 * NLVL, nl)
    glab = gt_labels.astype(jnp.int32)
    mg = mask_gt.astype(jnp.float32)

    grid = (bs,)
    out_shape = (
        jax.ShapeDtypeStruct((bs, NLVL, 1, nl), jnp.int32),
        jax.ShapeDtypeStruct((bs, NLVL, nl, 4), jnp.float32),
        jax.ShapeDtypeStruct((bs, NLVL, nl, NUM_CLASSES), jnp.float32),
        jax.ShapeDtypeStruct((bs, NLVL, 1, nl), jnp.int32),
    )
    row_spec = pl.BlockSpec((1, NLVL, 1, nl), lambda b: (b, 0, 0, 0))
    in_specs = [
        pl.BlockSpec((2 * NLVL, nl), lambda b: (0, 0)),
        pl.BlockSpec((1, 4 * NLVL, nl), lambda b: (b, 0, 0)),
        pl.BlockSpec((1, nmax, 4), lambda b: (b, 0, 0)),
        pl.BlockSpec((1, nmax, 1), lambda b: (b, 0, 0)),
        pl.BlockSpec((1, nmax, 1), lambda b: (b, 0, 0)),
    ]
    out_specs = (
        row_spec,
        pl.BlockSpec((1, NLVL, nl, 4), lambda b: (b, 0, 0, 0)),
        pl.BlockSpec((1, NLVL, nl, NUM_CLASSES), lambda b: (b, 0, 0, 0)),
        row_spec,
    )
    lab, tb, ts, tgt = pl.pallas_call(
        _atss_kernel,
        grid=grid,
        in_specs=in_specs,
        out_specs=out_specs,
        out_shape=out_shape,
    )(anc_t, pd_t, gt_bboxes, glab, mg)

    lab = lab.reshape(bs, A)
    return (lab, tb.reshape(bs, A, 4), ts.reshape(bs, A, NUM_CLASSES),
            lab != NUM_CLASSES, tgt.reshape(bs, A))

# --- scband reference (transcript-rebuilt; emitter-appended) ---
"""Pipeline reference for scband-atssassigner-11244224381516 (READ-ONLY COPY).

The authoritative reference and input builder live on the scoring server;
editing this copy changes nothing except your own understanding.
"""

import jax, jax.numpy as jnp
import numpy as np

TOPK = 9
NUM_CLASSES = 80
EPS = 1e-9


def pairwise_iou(box1, box2, eps=1e-7):
    b1_x1, b1_y1, b1_x2, b1_y2 = jnp.split(box1, 4, axis=-1)
    b2_x1, b2_y1, b2_x2, b2_y2 = jnp.split(box2, 4, axis=-1)
    inter_w = jnp.clip(jnp.minimum(b1_x2, b2_x2) - jnp.maximum(b1_x1, b2_x1), 0.0, None)
    inter_h = jnp.clip(jnp.minimum(b1_y2, b2_y2) - jnp.maximum(b1_y1, b2_y1), 0.0, None)
    inter = inter_w * inter_h
    area1 = (b1_x2 - b1_x1) * (b1_y2 - b1_y1)
    area2 = (b2_x2 - b2_x1) * (b2_y2 - b2_y1)
    return (inter / (area1 + area2 - inter + eps))[..., 0]


def atss_forward(pd_scores, pd_bboxes, anc_points, gt_labels, gt_bboxes, mask_gt):
    bs = pd_scores.shape[0]
    n_anchors = anc_points.shape[0]
    n_max_boxes = gt_bboxes.shape[1]
    num_classes = NUM_CLASSES
    bg_idx = num_classes
    # ---- IoU between gt boxes and unit anchor boxes around anchor points ----
    anchor_boxes = jnp.concatenate([anc_points - 0.5, anc_points + 0.5], axis=1)  # (A, 4)
    overlaps = pairwise_iou(gt_bboxes[:, :, None, :], anchor_boxes[None, None, :, :])  # (bs, n_max, A)
    # ---- center distances ----
    gt_centers = (gt_bboxes[:, :, :2] + gt_bboxes[:, :, 2:]) / 2.0
    distances = jnp.sqrt(((gt_centers[:, :, None, :] - anc_points[None, None, :, :]) ** 2).sum(-1))  # (bs, n_max, A)
    # ---- 3-level split ----
    n1 = n_anchors // 3
    n2 = n_anchors // 3
    n3 = n_anchors - n1 - n2
    n_level_bboxes = [n1, n2, n3]
    mask_gt_b = mask_gt > 0  # (bs, n_max, 1)
    is_in_cand_list = []
    cand_idx_list = []
    start = 0
    for nl in n_level_bboxes:
        d = distances[:, :, start:start + nl]
        k = min(TOPK, nl)
        _, idxs = jax.lax.top_k(-d, k)  # smallest distances
        cand_idx_list.append(idxs + start)
        idxs_m = jnp.where(mask_gt_b, idxs, 0)
        oh = jax.nn.one_hot(idxs_m, nl, dtype=distances.dtype).sum(-2)
        oh = jnp.where(oh > 1, jnp.zeros_like(oh), oh)
        is_in_cand_list.append(oh)
        start += nl
    is_in_candidate = jnp.concatenate(is_in_cand_list, axis=-1)  # (bs, n_max, A)
    candidate_idxs = jnp.concatenate(cand_idx_list, axis=-1)     # (bs, n_max, 3*topk)
    # ---- mean+std threshold over candidate overlaps ----
    cand_overlaps_full = jnp.where(is_in_candidate > 0, overlaps, jnp.zeros_like(overlaps))
    n_bn = bs * n_max_boxes
    ci = candidate_idxs.reshape(n_bn, -1)
    assist = (n_anchors * jnp.arange(n_bn))[:, None]
    flat = ci + assist
    cand_ov = cand_overlaps_full.reshape(-1)[flat].reshape(bs, n_max_boxes, -1)
    thr = cand_ov.mean(-1, keepdims=True) + jnp.std(cand_ov, axis=-1, keepdims=True, ddof=1)
    is_pos = jnp.where(cand_overlaps_full > thr, is_in_candidate, jnp.zeros_like(is_in_candidate))
    # ---- anchor centers inside gt box ----
    lt = anc_points[None, None, :, :] - gt_bboxes[:, :, None, :2]
    rb = gt_bboxes[:, :, None, 2:] - anc_points[None, None, :, :]
    deltas = jnp.concatenate([lt, rb], axis=-1)
    is_in_gts = (deltas.min(axis=-1) > EPS).astype(gt_bboxes.dtype)
    mask_pos = is_pos * is_in_gts * mask_gt  # mask_gt (bs,n_max,1) broadcasts over A
    # ---- resolve anchors matched to multiple gts ----
    fg_mask = mask_pos.sum(-2)
    mask_multi = fg_mask[:, None, :] > 1
    max_ov_idx = jnp.argmax(overlaps, axis=1)  # (bs, A)
    is_max = jnp.transpose(jax.nn.one_hot(max_ov_idx, n_max_boxes, dtype=overlaps.dtype), (0, 2, 1))
    mask_pos = jnp.where(mask_multi, is_max, mask_pos)
    fg_mask = mask_pos.sum(-2)
    target_gt_idx = jnp.argmax(mask_pos, axis=-2)  # (bs, A)
    # ---- gather targets ----
    batch_ind = jnp.arange(bs)[:, None]
    flat_idx = target_gt_idx + batch_ind * n_max_boxes
    target_labels = gt_labels.reshape(-1).astype(jnp.int32)[flat_idx]
    target_bboxes = gt_bboxes.reshape(-1, 4)[flat_idx]
    target_labels = jnp.where(fg_mask > 0, target_labels, bg_idx)
    target_scores = jax.nn.one_hot(target_labels, num_classes + 1, dtype=jnp.float32)
    target_scores = jnp.where((fg_mask > 0)[..., None], target_scores, jnp.zeros_like(target_scores))
    target_scores = target_scores[..., :num_classes]
    # ---- scale target scores by best pred-gt IoU ----
    ious = pairwise_iou(gt_bboxes[:, :, None, :], pd_bboxes[:, None, :, :]) * mask_pos
    ious = ious.max(-2)[..., None]
    target_scores = target_scores * ious
    return target_labels, target_bboxes, target_scores, fg_mask > 0, target_gt_idx


def setup_inputs(seed: int = 0):
    key = jax.random.key(seed)
    k1, k2, k3, k4, k5 = jax.random.split(key, 5)
    bs, A, nc, nmax = 16, 8400, 80, 32
    pd_scores = jax.random.uniform(k1, (bs, A, nc), dtype=jnp.float32)
    pd_bboxes = jax.random.uniform(k2, (bs, A, 4), dtype=jnp.float32)
    anc_points = jax.random.uniform(k3, (A, 2), dtype=jnp.float32)
    gt_labels = jax.random.randint(k4, (bs, nmax, 1), 0, 80)
    gt_bboxes = jax.random.uniform(k5, (bs, nmax, 4), dtype=jnp.float32)
    mask_gt = jnp.ones((bs, nmax, 1), dtype=jnp.float32)
    return {"pd_scores": pd_scores, "pd_bboxes": pd_bboxes, "anc_points": anc_points,
            "gt_labels": gt_labels, "gt_bboxes": gt_bboxes, "mask_gt": mask_gt}


def reference(pd_scores, pd_bboxes, anc_points, gt_labels, gt_bboxes, mask_gt):
    return atss_forward(pd_scores, pd_bboxes, anc_points, gt_labels, gt_bboxes, mask_gt)

if __name__ == "__main__":
    import jax
    _d = setup_inputs()
    print(jax.jit(kernel)(*tuple(_d.values())))

</pallas_src>

<mosaic_0001>
module attributes {stable_mosaic.version = 14 : i64} {
  func.func @_atss_kernel(%arg0: i32, %arg1: memref<6x2800xf32, #tpu.memory_space<vmem>>, %arg2: memref<1x12x2800xf32, #tpu.memory_space<vmem>>, %arg3: memref<1x32x4xf32, #tpu.memory_space<vmem>>, %arg4: memref<1x32x1xi32, #tpu.memory_space<vmem>>, %arg5: memref<1x32x1xf32, #tpu.memory_space<vmem>>, %arg6: memref<1x3x1x2800xi32, #tpu.memory_space<vmem>>, %arg7: memref<1x3x2800x4xf32, #tpu.memory_space<vmem>>, %arg8: memref<1x3x2800x80xf32, #tpu.memory_space<vmem>>, %arg9: memref<1x3x1x2800xi32, #tpu.memory_space<vmem>>) attributes {dimension_semantics = [#tpu.dimension_semantics<arbitrary>], iteration_bounds = array<i64: 16>, scalar_prefetch = 0 : i64, scratch_operands = 0 : i64, tpu.core_type = #tpu.core_type<tc>, window_params = [{pipeline_mode = #tpu.pipeline_mode<synchronous>, transform_indices = @transform_0, window_bounds = array<i64: 6, 2800>}, {transform_indices = @transform_1, window_bounds = array<i64: 1, 12, 2800>}, {transform_indices = @transform_2, window_bounds = array<i64: 1, 32, 4>}, {transform_indices = @transform_3, window_bounds = array<i64: 1, 32, 1>}, {transform_indices = @transform_4, window_bounds = array<i64: 1, 32, 1>}, {transform_indices = @transform_5, window_bounds = array<i64: 1, 3, 1, 2800>}, {transform_indices = @transform_6, window_bounds = array<i64: 1, 3, 2800, 4>}, {transform_indices = @transform_7, window_bounds = array<i64: 1, 3, 2800, 80>}, {transform_indices = @transform_8, window_bounds = array<i64: 1, 3, 1, 2800>}]} {
    %get3A = arith.constant 0 : index
    %get3A_0 = arith.constant 0 : index
    %get3A_1 = arith.constant 0 : index
    %get3A_2 = vector.load %arg3[%get3A, %get3A_0, %get3A_1] : memref<1x32x4xf32, #tpu.memory_space<vmem>>, vector<1x32x4xf32>
    %get3A_3 = vector.shape_cast %get3A_2 : vector<1x32x4xf32> to vector<32x4xf32>
    %slice3A = vector.extract_strided_slice %get3A_3 {offsets = [0, 0], sizes = [32, 1], strides = [1, 1]} : vector<32x4xf32> to vector<32x1xf32>
    %slice3A_4 = vector.extract_strided_slice %get3A_3 {offsets = [0, 1], sizes = [32, 1], strides = [1, 1]} : vector<32x4xf32> to vector<32x1xf32>
    %slice3A_5 = vector.extract_strided_slice %get3A_3 {offsets = [0, 2], sizes = [32, 1], strides = [1, 1]} : vector<32x4xf32> to vector<32x1xf32>
    %slice3A_6 = vector.extract_strided_slice %get3A_3 {offsets = [0, 3], sizes = [32, 1], strides = [1, 1]} : vector<32x4xf32> to vector<32x1xf32>
    %get3A_7 = arith.constant 0 : index
    %get3A_8 = arith.constant 0 : index
    %get3A_9 = arith.constant 0 : index
    %get3A_10 = vector.load %arg4[%get3A_7, %get3A_8, %get3A_9] : memref<1x32x1xi32, #tpu.memory_space<vmem>>, vector<1x32x1xi32>
    %get3A_11 = vector.shape_cast %get3A_10 : vector<1x32x1xi32> to vector<32x1xi32>
    %get3A_12 = arith.constant 0 : index
    %get3A_13 = arith.constant 0 : index
    %get3A_14 = arith.constant 0 : index
    %get3A_15 = vector.load %arg5[%get3A_12, %get3A_13, %get3A_14] : memref<1x32x1xf32, #tpu.memory_space<vmem>>, vector<1x32x1xf32>
    %get3A_16 = vector.shape_cast %get3A_15 : vector<1x32x1xf32> to vector<32x1xf32>
    %sub3A = arith.subf %slice3A_5, %slice3A : vector<32x1xf32>
    %sub3A_17 = arith.subf %slice3A_6, %slice3A_4 : vector<32x1xf32>
    %mul3A = arith.mulf %sub3A, %sub3A_17 : vector<32x1xf32>
    %add3A = arith.addf %slice3A, %slice3A_5 : vector<32x1xf32>
    %div3A = arith.constant 2.000000e+00 : f32
    %div3A_18 = vector.broadcast %div3A : f32 to vector<32x1xf32>
    %div3A_19 = arith.divf %add3A, %div3A_18 : vector<32x1xf32>
    %add3A_20 = arith.addf %slice3A_4, %slice3A_6 : vector<32x1xf32>
    %div3A_21 = arith.constant 2.000000e+00 : f32
    %div3A_22 = vector.broadcast %div3A_21 : f32 to vector<32x1xf32>
    %div3A_23 = arith.divf %add3A_20, %div3A_22 : vector<32x1xf32>
    %get3A_24 = arith.constant 0 : index
    %get3A_25 = arith.constant 0 : index
    %get3A_26 = vector.load %arg1[%get3A_24, %get3A_25] : memref<6x2800xf32, #tpu.memory_space<vmem>>, vector<1x2800xf32>
    %get3A_27 = arith.constant 3 : index
    %get3A_28 = arith.constant 0 : index
    %get3A_29 = vector.load %arg1[%get3A_27, %get3A_28] : memref<6x2800xf32, #tpu.memory_space<vmem>>, vector<1x2800xf32>
    %sub3A_30 = arith.constant 5.000000e-01 : f32
    %sub3A_31 = vector.broadcast %sub3A_30 : f32 to vector<1x2800xf32>
    %sub3A_32 = arith.subf %get3A_26, %sub3A_31 : vector<1x2800xf32>
    %sub3A_33 = arith.constant 5.000000e-01 : f32
    %sub3A_34 = vector.broadcast %sub3A_33 : f32 to vector<1x2800xf32>
    %sub3A_35 = arith.subf %get3A_29, %sub3A_34 : vector<1x2800xf32>
    %add3A_36 = arith.constant 5.000000e-01 : f32
    %add3A_37 = vector.broadcast %add3A_36 : f32 to vector<1x2800xf32>
    %add3A_38 = arith.addf %get3A_26, %add3A_37 : vector<1x2800xf32>
    %add3A_39 = arith.constant 5.000000e-01 : f32
    %add3A_40 = vector.broadcast %add3A_39 : f32 to vector<1x2800xf32>
    %add3A_41 = arith.addf %get3A_29, %add3A_40 : vector<1x2800xf32>
    %sub3A_42 = arith.subf %add3A_38, %sub3A_32 : vector<1x2800xf32>
    %sub3A_43 = arith.subf %add3A_41, %sub3A_35 : vector<1x2800xf32>
    %mul3A_44 = arith.mulf %sub3A_42, %sub3A_43 : vector<1x2800xf32>
    %min3A = vector.broadcast %slice3A_5 : vector<32x1xf32> to vector<32x2800xf32>
    %min3A_45 = vector.broadcast %add3A_38 : vector<1x2800xf32> to vector<32x2800xf32>
    %min3A_46 = arith.minimumf %min3A, %min3A_45 : vector<32x2800xf32>
    %max3A = vector.broadcast %slice3A : vector<32x1xf32> to vector<32x2800xf32>
    %max3A_47 = vector.broadcast %sub3A_32 : vector<1x2800xf32> to vector<32x2800xf32>
    %max3A_48 = arith.maximumf %max3A, %max3A_47 : vector<32x2800xf32>
    %sub3A_49 = arith.subf %min3A_46, %max3A_48 : vector<32x2800xf32>
    %jit3A = arith.constant 0.000000e+00 : f32
    %max3A_50 = vector.broadcast %jit3A : f32 to vector<32x2800xf32>
    %max3A_51 = arith.maximumf %max3A_50, %sub3A_49 : vector<32x2800xf32>
    %min3A_52 = vector.broadcast %slice3A_6 : vector<32x1xf32> to vector<32x2800xf32>
    %min3A_53 = vector.broadcast %add3A_41 : vector<1x2800xf32> to vector<32x2800xf32>
    %min3A_54 = arith.minimumf %min3A_52, %min3A_53 : vector<32x2800xf32>
    %max3A_55 = vector.broadcast %slice3A_4 : vector<32x1xf32> to vector<32x2800xf32>
    %max3A_56 = vector.broadcast %sub3A_35 : vector<1x2800xf32> to vector<32x2800xf32>
    %max3A_57 = arith.maximumf %max3A_55, %max3A_56 : vector<32x2800xf32>
    %sub3A_58 = arith.subf %min3A_54, %max3A_57 : vector<32x2800xf32>
    %jit3A_59 = arith.constant 0.000000e+00 : f32
    %max3A_60 = vector.broadcast %jit3A_59 : f32 to vector<32x2800xf32>
    %max3A_61 = arith.maximumf %max3A_60, %sub3A_58 : vector<32x2800xf32>
    %mul3A_62 = arith.mulf %max3A_51, %max3A_61 : vector<32x2800xf32>
    %add3A_63 = vector.broadcast %mul3A : vector<32x1xf32> to vector<32x2800xf32>
    %add3A_64 = vector.broadcast %mul3A_44 : vector<1x2800xf32> to vector<32x2800xf32>
    %add3A_65 = arith.addf %add3A_63, %add3A_64 : vector<32x2800xf32>
    %sub3A_66 = arith.subf %add3A_65, %mul3A_62 : vector<32x2800xf32>
    %add3A_67 = arith.constant 1.000000e-07 : f32
    %add3A_68 = vector.broadcast %add3A_67 : f32 to vector<32x2800xf32>
    %add3A_69 = arith.addf %sub3A_66, %add3A_68 : vector<32x2800xf32>
    %div3A_70 = arith.divf %mul3A_62, %add3A_69 : vector<32x2800xf32>
    %sub3A_71 = vector.broadcast %div3A_19 : vector<32x1xf32> to vector<32x2800xf32>
    %sub3A_72 = vector.broadcast %get3A_26 : vector<1x2800xf32> to vector<32x2800xf32>
    %sub3A_73 = arith.subf %sub3A_71, %sub3A_72 : vector<32x2800xf32>
    %sub3A_74 = vector.broadcast %div3A_23 : vector<32x1xf32> to vector<32x2800xf32>
    %sub3A_75 = vector.broadcast %get3A_29 : vector<1x2800xf32> to vector<32x2800xf32>
    %sub3A_76 = arith.subf %sub3A_74, %sub3A_75 : vector<32x2800xf32>
    %mul3A_77 = arith.mulf %sub3A_73, %sub3A_73 : vector<32x2800xf32>
    %mul3A_78 = arith.mulf %sub3A_76, %sub3A_76 : vector<32x2800xf32>
    %add3A_79 = arith.addf %mul3A_77, %mul3A_78 : vector<32x2800xf32>
    %sqrt3A = math.sqrt %add3A_79 : vector<32x2800xf32>
    %get3A_80 = arith.constant 1 : index
    %get3A_81 = arith.constant 0 : index
    %get3A_82 = vector.load %arg1[%get3A_80, %get3A_81] : memref<6x2800xf32, #tpu.memory_space<vmem>>, vector<1x2800xf32>
    %get3A_83 = arith.constant 4 : index
    %get3A_84 = arith.constant 0 : index
    %get3A_85 = vector.load %arg1[%get3A_83, %get3A_84] : memref<6x2800xf32, #tpu.memory_space<vmem>>, vector<1x2800xf32>
    %sub3A_86 = arith.constant 5.000000e-01 : f32
    %sub3A_87 = vector.broadcast %sub3A_86 : f32 to vector<1x2800xf32>
    %sub3A_88 = arith.subf %get3A_82, %sub3A_87 : vector<1x2800xf32>
    %sub3A_89 = arith.constant 5.000000e-01 : f32
    %sub3A_90 = vector.broadcast %sub3A_89 : f32 to vector<1x2800xf32>
    %sub3A_91 = arith.subf %get3A_85, %sub3A_90 : vector<1x2800xf32>
    %add3A_92 = arith.constant 5.000000e-01 : f32
    %add3A_93 = vector.broadcast %add3A_92 : f32 to vector<1x2800xf32>
    %add3A_94 = arith.addf %get3A_82, %add3A_93 : vector<1x2800xf32>
    %add3A_95 = arith.constant 5.000000e-01 : f32
    %add3A_96 = vector.broadcast %add3A_95 : f32 to vector<1x2800xf32>
    %add3A_97 = arith.addf %get3A_85, %add3A_96 : vector<1x2800xf32>
    %sub3A_98 = arith.subf %add3A_94, %sub3A_88 : vector<1x2800xf32>
    %sub3A_99 = arith.subf %add3A_97, %sub3A_91 : vector<1x2800xf32>
    %mul3A_100 = arith.mulf %sub3A_98, %sub3A_99 : vector<1x2800xf32>
    %min3A_101 = vector.broadcast %slice3A_5 : vector<32x1xf32> to vector<32x2800xf32>
    %min3A_102 = vector.broadcast %add3A_94 : vector<1x2800xf32> to vector<32x2800xf32>
    %min3A_103 = arith.minimumf %min3A_101, %min3A_102 : vector<32x2800xf32>
    %max3A_104 = vector.broadcast %slice3A : vector<32x1xf32> to vector<32x2800xf32>
    %max3A_105 = vector.broadcast %sub3A_88 : vector<1x2800xf32> to vector<32x2800xf32>
    %max3A_106 = arith.maximumf %max3A_104, %max3A_105 : vector<32x2800xf32>
    %sub3A_107 = arith.subf %min3A_103, %max3A_106 : vector<32x2800xf32>
    %jit3A_108 = arith.constant 0.000000e+00 : f32
    %max3A_109 = vector.broadcast %jit3A_108 : f32 to vector<32x2800xf32>
    %max3A_110 = arith.maximumf %max3A_109, %sub3A_107 : vector<32x2800xf32>
    %min3A_111 = vector.broadcast %slice3A_6 : vector<32x1xf32> to vector<32x2800xf32>
    %min3A_112 = vector.broadcast %add3A_97 : vector<1x2800xf32> to vector<32x2800xf32>
    %min3A_113 = arith.minimumf %min3A_111, %min3A_112 : vector<32x2800xf32>
    %max3A_114 = vector.broadcast %slice3A_4 : vector<32x1xf32> to vector<32x2800xf32>
    %max3A_115 = vector.broadcast %sub3A_91 : vector<1x2800xf32> to vector<32x2800xf32>
    %max3A_116 = arith.maximumf %max3A_114, %max3A_115 : vector<32x2800xf32>
    %sub3A_117 = arith.subf %min3A_113, %max3A_116 : vector<32x2800xf32>
    %jit3A_118 = arith.constant 0.000000e+00 : f32
    %max3A_119 = vector.broadcast %jit3A_118 : f32 to vector<32x2800xf32>
    %max3A_120 = arith.maximumf %max3A_119, %sub3A_117 : vector<32x2800xf32>
    %mul3A_121 = arith.mulf %max3A_110, %max3A_120 : vector<32x2800xf32>
    %add3A_122 = vector.broadcast %mul3A : vector<32x1xf32> to vector<32x2800xf32>
    %add3A_123 = vector.broadcast %mul3A_100 : vector<1x2800xf32> to vector<32x2800xf32>
    %add3A_124 = arith.addf %add3A_122, %add3A_123 : vector<32x2800xf32>
    %sub3A_125 = arith.subf %add3A_124, %mul3A_121 : vector<32x2800xf32>
    %add3A_126 = arith.constant 1.000000e-07 : f32
    %add3A_127 = vector.broadcast %add3A_126 : f32 to vector<32x2800xf32>
    %add3A_128 = arith.addf %sub3A_125, %add3A_127 : vector<32x2800xf32>
    %div3A_129 = arith.divf %mul3A_121, %add3A_128 : vector<32x2800xf32>
    %sub3A_130 = vector.broadcast %div3A_19 : vector<32x1xf32> to vector<32x2800xf32>
    %sub3A_131 = vector.broadcast %get3A_82 : vector<1x2800xf32> to vector<32x2800xf32>
    %sub3A_132 = arith.subf %sub3A_130, %sub3A_131 : vector<32x2800xf32>
    %sub3A_133 = vector.broadcast %div3A_23 : vector<32x1xf32> to vector<32x2800xf32>
    %sub3A_134 = vector.broadcast %get3A_85 : vector<1x2800xf32> to vector<32x2800xf32>
    %sub3A_135 = arith.subf %sub3A_133, %sub3A_134 : vector<32x2800xf32>
    %mul3A_136 = arith.mulf %sub3A_132, %sub3A_132 : vector<32x2800xf32>
    %mul3A_137 = arith.mulf %sub3A_135, %sub3A_135 : vector<32x2800xf32>
    %add3A_138 = arith.addf %mul3A_136, %mul3A_137 : vector<32x2800xf32>
    %sqrt3A_139 = math.sqrt %add3A_138 : vector<32x2800xf32>
    %get3A_140 = arith.constant 2 : index
    %get3A_141 = arith.constant 0 : index
    %get3A_142 = vector.load %arg1[%get3A_140, %get3A_141] : memref<6x2800xf32, #tpu.memory_space<vmem>>, vector<1x2800xf32>
    %get3A_143 = arith.constant 5 : index
    %get3A_144 = arith.constant 0 : index
    %get3A_145 = vector.load %arg1[%get3A_143, %get3A_144] : memref<6x2800xf32, #tpu.memory_space<vmem>>, vector<1x2800xf32>
    %sub3A_146 = arith.constant 5.000000e-01 : f32
    %sub3A_147 = vector.broadcast %sub3A_146 : f32 to vector<1x2800xf32>
    %sub3A_148 = arith.subf %get3A_142, %sub3A_147 : vector<1x2800xf32>
    %sub3A_149 = arith.constant 5.000000e-01 : f32
    %sub3A_150 = vector.broadcast %sub3A_149 : f32 to vector<1x2800xf32>
    %sub3A_151 = arith.subf %get3A_145, %sub3A_150 : vector<1x2800xf32>
    %add3A_152 = arith.constant 5.000000e-01 : f32
    %add3A_153 = vector.broadcast %add3A_152 : f32 to vector<1x2800xf32>
    %add3A_154 = arith.addf %get3A_142, %add3A_153 : vector<1x2800xf32>
    %add3A_155 = arith.constant 5.000000e-01 : f32
    %add3A_156 = vector.broadcast %add3A_155 : f32 to vector<1x2800xf32>
    %add3A_157 = arith.addf %get3A_145, %add3A_156 : vector<1x2800xf32>
    %sub3A_158 = arith.subf %add3A_154, %sub3A_148 : vector<1x2800xf32>
    %sub3A_159 = arith.subf %add3A_157, %sub3A_151 : vector<1x2800xf32>
    %mul3A_160 = arith.mulf %sub3A_158, %sub3A_159 : vector<1x2800xf32>
    %min3A_161 = vector.broadcast %slice3A_5 : vector<32x1xf32> to vector<32x2800xf32>
    %min3A_162 = vector.broadcast %add3A_154 : vector<1x2800xf32> to vector<32x2800xf32>
    %min3A_163 = arith.minimumf %min3A_161, %min3A_162 : vector<32x2800xf32>
    %max3A_164 = vector.broadcast %slice3A : vector<32x1xf32> to vector<32x2800xf32>
    %max3A_165 = vector.broadcast %sub3A_148 : vector<1x2800xf32> to vector<32x2800xf32>
    %max3A_166 = arith.maximumf %max3A_164, %max3A_165 : vector<32x2800xf32>
    %sub3A_167 = arith.subf %min3A_163, %max3A_166 : vector<32x2800xf32>
    %jit3A_168 = arith.constant 0.000000e+00 : f32
    %max3A_169 = vector.broadcast %jit3A_168 : f32 to vector<32x2800xf32>
    %max3A_170 = arith.maximumf %max3A_169, %sub3A_167 : vector<32x2800xf32>
    %min3A_171 = vector.broadcast %slice3A_6 : vector<32x1xf32> to vector<32x2800xf32>
    %min3A_172 = vector.broadcast %add3A_157 : vector<1x2800xf32> to vector<32x2800xf32>
    %min3A_173 = arith.minimumf %min3A_171, %min3A_172 : vector<32x2800xf32>
    %max3A_174 = vector.broadcast %slice3A_4 : vector<32x1xf32> to vector<32x2800xf32>
    %max3A_175 = vector.broadcast %sub3A_151 : vector<1x2800xf32> to vector<32x2800xf32>
    %max3A_176 = arith.maximumf %max3A_174, %max3A_175 : vector<32x2800xf32>
    %sub3A_177 = arith.subf %min3A_173, %max3A_176 : vector<32x2800xf32>
    %jit3A_178 = arith.constant 0.000000e+00 : f32
    %max3A_179 = vector.broadcast %jit3A_178 : f32 to vector<32x2800xf32>
    %max3A_180 = arith.maximumf %max3A_179, %sub3A_177 : vector<32x2800xf32>
    %mul3A_181 = arith.mulf %max3A_170, %max3A_180 : vector<32x2800xf32>
    %add3A_182 = vector.broadcast %mul3A : vector<32x1xf32> to vector<32x2800xf32>
    %add3A_183 = vector.broadcast %mul3A_160 : vector<1x2800xf32> to vector<32x2800xf32>
    %add3A_184 = arith.addf %add3A_182, %add3A_183 : vector<32x2800xf32>
    %sub3A_185 = arith.subf %add3A_184, %mul3A_181 : vector<32x2800xf32>
    %add3A_186 = arith.constant 1.000000e-07 : f32
    %add3A_187 = vector.broadcast %add3A_186 : f32 to vector<32x2800xf32>
    %add3A_188 = arith.addf %sub3A_185, %add3A_187 : vector<32x2800xf32>
    %div3A_189 = arith.divf %mul3A_181, %add3A_188 : vector<32x2800xf32>
    %sub3A_190 = vector.broadcast %div3A_19 : vector<32x1xf32> to vector<32x2800xf32>
    %sub3A_191 = vector.broadcast %get3A_142 : vector<1x2800xf32> to vector<32x2800xf32>
    %sub3A_192 = arith.subf %sub3A_190, %sub3A_191 : vector<32x2800xf32>
    %sub3A_193 = vector.broadcast %div3A_23 : vector<32x1xf32> to vector<32x2800xf32>
    %sub3A_194 = vector.broadcast %get3A_145 : vector<1x2800xf32> to vector<32x2800xf32>
    %sub3A_195 = arith.subf %sub3A_193, %sub3A_194 : vector<32x2800xf32>
    %mul3A_196 = arith.mulf %sub3A_192, %sub3A_192 : vector<32x2800xf32>
    %mul3A_197 = arith.mulf %sub3A_195, %sub3A_195 : vector<32x2800xf32>
    %add3A_198 = arith.addf %mul3A_196, %mul3A_197 : vector<32x2800xf32>
    %sqrt3A_199 = math.sqrt %add3A_198 : vector<32x2800xf32>
    %concatenate3A = tpu.concatenate %sqrt3A, %sqrt3A_139, %sqrt3A_199 in 0 : vector<32x2800xf32>, vector<32x2800xf32>, vector<32x2800xf32> -> vector<96x2800xf32>
    %concatenate3A_200 = tpu.concatenate %div3A_70, %div3A_129, %div3A_189 in 0 : vector<32x2800xf32>, vector<32x2800xf32>, vector<32x2800xf32> -> vector<96x2800xf32>
    %reduce_min3A = arith.constant dense<0x7F800000> : vector<96xf32>
    %reduce_min3A_201 = vector.multi_reduction <minimumf>, %concatenate3A, %reduce_min3A [1] : vector<96x2800xf32> to vector<96xf32>
    %broadcast_in_dim3A = vector.shape_cast %reduce_min3A_201 : vector<96xf32> to vector<96x1xf32>
    %eq3A = vector.broadcast %broadcast_in_dim3A : vector<96x1xf32> to vector<96x2800xf32>
    %eq3A_202 = arith.cmpf oeq, %concatenate3A, %eq3A : vector<96x2800xf32>
    %jit3A_203 = arith.constant 0.000000e+00 : f32
    %broadcast_in_dim3A_204 = vector.broadcast %jit3A_203 : f32 to vector<96x2800xf32>
    %select_n3A = arith.select %eq3A_202, %concatenate3A_200, %broadcast_in_dim3A_204 : vector<96x2800xi1>, vector<96x2800xf32>
    %reduce_sum3A = arith.constant dense<0.000000e+00> : vector<96xf32>
    %reduce_sum3A_205 = vector.multi_reduction <add>, %select_n3A, %reduce_sum3A [1] : vector<96x2800xf32> to vector<96xf32>
    %broadcast_in_dim3A_206 = vector.shape_cast %reduce_sum3A_205 : vector<96xf32> to vector<96x1xf32>
    %jit3A_207 = arith.constant 0x7F800000 : f32
    %broadcast_in_dim3A_208 = vector.broadcast %jit3A_207 : f32 to vector<96x2800xf32>
    %select_n3A_209 = arith.select %eq3A_202, %broadcast_in_dim3A_208, %concatenate3A : vector<96x2800xi1>, vector<96x2800xf32>
    %reduce_min3A_210 = arith.constant dense<0x7F800000> : vector<96xf32>
    %reduce_min3A_211 = vector.multi_reduction <minimumf>, %select_n3A_209, %reduce_min3A_210 [1] : vector<96x2800xf32> to vector<96xf32>
    %broadcast_in_dim3A_212 = vector.shape_cast %reduce_min3A_211 : vector<96xf32> to vector<96x1xf32>
    %eq3A_213 = vector.broadcast %broadcast_in_dim3A_212 : vector<96x1xf32> to vector<96x2800xf32>
    %eq3A_214 = arith.cmpf oeq, %select_n3A_209, %eq3A_213 : vector<96x2800xf32>
    %jit3A_215 = arith.constant 0.000000e+00 : f32
    %broadcast_in_dim3A_216 = vector.broadcast %jit3A_215 : f32 to vector<96x2800xf32>
    %select_n3A_217 = arith.select %eq3A_214, %concatenate3A_200, %broadcast_in_dim3A_216 : vector<96x2800xi1>, vector<96x2800xf32>
    %reduce_sum3A_218 = arith.constant dense<0.000000e+00> : vector<96xf32>
    %reduce_sum3A_219 = vector.multi_reduction <add>, %select_n3A_217, %reduce_sum3A_218 [1] : vector<96x2800xf32> to vector<96xf32>
    %broadcast_in_dim3A_220 = vector.shape_cast %reduce_sum3A_219 : vector<96xf32> to vector<96x1xf32>
    %jit3A_221 = arith.constant 0x7F800000 : f32
    %broadcast_in_dim3A_222 = vector.broadcast %jit3A_221 : f32 to vector<96x2800xf32>
    %select_n3A_223 = arith.select %eq3A_214, %broadcast_in_dim3A_222, %select_n3A_209 : vector<96x2800xi1>, vector<96x2800xf32>
    %reduce_min3A_224 = arith.constant dense<0x7F800000> : vector<96xf32>
    %reduce_min3A_225 = vector.multi_reduction <minimumf>, %select_n3A_223, %reduce_min3A_224 [1] : vector<96x2800xf32> to vector<96xf32>
    %broadcast_in_dim3A_226 = vector.shape_cast %reduce_min3A_225 : vector<96xf32> to vector<96x1xf32>
    %eq3A_227 = vector.broadcast %broadcast_in_dim3A_226 : vector<96x1xf32> to vector<96x2800xf32>
    %eq3A_228 = arith.cmpf oeq, %select_n3A_223, %eq3A_227 : vector<96x2800xf32>
    %jit3A_229 = arith.constant 0.000000e+00 : f32
    %broadcast_in_dim3A_230 = vector.broadcast %jit3A_229 : f32 to vector<96x2800xf32>
    %select_n3A_231 = arith.select %eq3A_228, %concatenate3A_200, %broadcast_in_dim3A_230 : vector<96x2800xi1>, vector<96x2800xf32>
    %reduce_sum3A_232 = arith.constant dense<0.000000e+00> : vector<96xf32>
    %reduce_sum3A_233 = vector.multi_reduction <add>, %select_n3A_231, %reduce_sum3A_232 [1] : vector<96x2800xf32> to vector<96xf32>
    %broadcast_in_dim3A_234 = vector.shape_cast %reduce_sum3A_233 : vector<96xf32> to vector<96x1xf32>
    %jit3A_235 = arith.constant 0x7F800000 : f32
    %broadcast_in_dim3A_236 = vector.broadcast %jit3A_235 : f32 to vector<96x2800xf32>
    %select_n3A_237 = arith.select %eq3A_228, %broadcast_in_dim3A_236, %select_n3A_223 : vector<96x2800xi1>, vector<96x2800xf32>
    %reduce_min3A_238 = arith.constant dense<0x7F800000> : vector<96xf32>
    %reduce_min3A_239 = vector.multi_reduction <minimumf>, %select_n3A_237, %reduce_min3A_238 [1] : vector<96x2800xf32> to vector<96xf32>
    %broadcast_in_dim3A_240 = vector.shape_cast %reduce_min3A_239 : vector<96xf32> to vector<96x1xf32>
    %eq3A_241 = vector.broadcast %broadcast_in_dim3A_240 : vector<96x1xf32> to vector<96x2800xf32>
    %eq3A_242 = arith.cmpf oeq, %select_n3A_237, %eq3A_241 : vector<96x2800xf32>
    %jit3A_243 = arith.constant 0.000000e+00 : f32
    %broadcast_in_dim3A_244 = vector.broadcast %jit3A_243 : f32 to vector<96x2800xf32>
    %select_n3A_245 = arith.select %eq3A_242, %concatenate3A_200, %broadcast_in_dim3A_244 : vector<96x2800xi1>, vector<96x2800xf32>
    %reduce_sum3A_246 = arith.constant dense<0.000000e+00> : vector<96xf32>
    %reduce_sum3A_247 = vector.multi_reduction <add>, %select_n3A_245, %reduce_sum3A_246 [1] : vector<96x2800xf32> to vector<96xf32>
    %broadcast_in_dim3A_248 = vector.shape_cast %reduce_sum3A_247 : vector<96xf32> to vector<96x1xf32>
    %jit3A_249 = arith.constant 0x7F800000 : f32
    %broadcast_in_dim3A_250 = vector.broadcast %jit3A_249 : f32 to vector<96x2800xf32>
    %select_n3A_251 = arith.select %eq3A_242, %broadcast_in_dim3A_250, %select_n3A_237 : vector<96x2800xi1>, vector<96x2800xf32>
    %reduce_min3A_252 = arith.constant dense<0x7F800000> : vector<96xf32>
    %reduce_min3A_253 = vector.multi_reduction <minimumf>, %select_n3A_251, %reduce_min3A_252 [1] : vector<96x2800xf32> to vector<96xf32>
    %broadcast_in_dim3A_254 = vector.shape_cast %reduce_min3A_253 : vector<96xf32> to vector<96x1xf32>
    %eq3A_255 = vector.broadcast %broadcast_in_dim3A_254 : vector<96x1xf32> to vector<96x2800xf32>
    %eq3A_256 = arith.cmpf oeq, %select_n3A_251, %eq3A_255 : vector<96x2800xf32>
    %jit3A_257 = arith.constant 0.000000e+00 : f32
    %broadcast_in_dim3A_258 = vector.broadcast %jit3A_257 : f32 to vector<96x2800xf32>
    %select_n3A_259 = arith.select %eq3A_256, %concatenate3A_200, %broadcast_in_dim3A_258 : vector<96x2800xi1>, vector<96x2800xf32>
    %reduce_sum3A_260 = arith.constant dense<0.000000e+00> : vector<96xf32>
    %reduce_sum3A_261 = vector.multi_reduction <add>, %select_n3A_259, %reduce_sum3A_260 [1] : vector<96x2800xf32> to vector<96xf32>
    %broadcast_in_dim3A_262 = vector.shape_cast %reduce_sum3A_261 : vector<96xf32> to vector<96x1xf32>
    %jit3A_263 = arith.constant 0x7F800000 : f32
    %broadcast_in_dim3A_264 = vector.broadcast %jit3A_263 : f32 to vector<96x2800xf32>
    %select_n3A_265 = arith.select %eq3A_256, %broadcast_in_dim3A_264, %select_n3A_251 : vector<96x2800xi1>, vector<96x2800xf32>
    %reduce_min3A_266 = arith.constant dense<0x7F800000> : vector<96xf32>
    %reduce_min3A_267 = vector.multi_reduction <minimumf>, %select_n3A_265, %reduce_min3A_266 [1] : vector<96x2800xf32> to vector<96xf32>
    %broadcast_in_dim3A_268 = vector.shape_cast %reduce_min3A_267 : vector<96xf32> to vector<96x1xf32>
    %eq3A_269 = vector.broadcast %broadcast_in_dim3A_268 : vector<96x1xf32> to vector<96x2800xf32>
    %eq3A_270 = arith.cmpf oeq, %select_n3A_265, %eq3A_269 : vector<96x2800xf32>
    %jit3A_271 = arith.constant 0.000000e+00 : f32
    %broadcast_in_dim3A_272 = vector.broadcast %jit3A_271 : f32 to vector<96x2800xf32>
    %select_n3A_273 = arith.select %eq3A_270, %concatenate3A_200, %broadcast_in_dim3A_272 : vector<96x2800xi1>, vector<96x2800xf32>
    %reduce_sum3A_274 = arith.constant dense<0.000000e+00> : vector<96xf32>
    %reduce_sum3A_275 = vector.multi_reduction <add>, %select_n3A_273, %reduce_sum3A_274 [1] : vector<96x2800xf32> to vector<96xf32>
    %broadcast_in_dim3A_276 = vector.shape_cast %reduce_sum3A_275 : vector<96xf32> to vector<96x1xf32>
    %jit3A_277 = arith.constant 0x7F800000 : f32
    %broadcast_in_dim3A_278 = vector.broadcast %jit3A_277 : f32 to vector<96x2800xf32>
    %select_n3A_279 = arith.select %eq3A_270, %broadcast_in_dim3A_278, %select_n3A_265 : vector<96x2800xi1>, vector<96x2800xf32>
    %reduce_min3A_280 = arith.constant dense<0x7F800000> : vector<96xf32>
    %reduce_min3A_281 = vector.multi_reduction <minimumf>, %select_n3A_279, %reduce_min3A_280 [1] : vector<96x2800xf32> to vector<96xf32>
    %broadcast_in_dim3A_282 = vector.shape_cast %reduce_min3A_281 : vector<96xf32> to vector<96x1xf32>
    %eq3A_283 = vector.broadcast %broadcast_in_dim3A_282 : vector<96x1xf32> to vector<96x2800xf32>
    %eq3A_284 = arith.cmpf oeq, %select_n3A_279, %eq3A_283 : vector<96x2800xf32>
    %jit3A_285 = arith.constant 0.000000e+00 : f32
    %broadcast_in_dim3A_286 = vector.broadcast %jit3A_285 : f32 to vector<96x2800xf32>
    %select_n3A_287 = arith.select %eq3A_284, %concatenate3A_200, %broadcast_in_dim3A_286 : vector<96x2800xi1>, vector<96x2800xf32>
    %reduce_sum3A_288 = arith.constant dense<0.000000e+00> : vector<96xf32>
    %reduce_sum3A_289 = vector.multi_reduction <add>, %select_n3A_287, %reduce_sum3A_288 [1] : vector<96x2800xf32> to vector<96xf32>
    %broadcast_in_dim3A_290 = vector.shape_cast %reduce_sum3A_289 : vector<96xf32> to vector<96x1xf32>
    %jit3A_291 = arith.constant 0x7F800000 : f32
    %broadcast_in_dim3A_292 = vector.broadcast %jit3A_291 : f32 to vector<96x2800xf32>
    %select_n3A_293 = arith.select %eq3A_284, %broadcast_in_dim3A_292, %select_n3A_279 : vector<96x2800xi1>, vector<96x2800xf32>
    %reduce_min3A_294 = arith.constant dense<0x7F800000> : vector<96xf32>
    %reduce_min3A_295 = vector.multi_reduction <minimumf>, %select_n3A_293, %reduce_min3A_294 [1] : vector<96x2800xf32> to vector<96xf32>
    %broadcast_in_dim3A_296 = vector.shape_cast %reduce_min3A_295 : vector<96xf32> to vector<96x1xf32>
    %eq3A_297 = vector.broadcast %broadcast_in_dim3A_296 : vector<96x1xf32> to vector<96x2800xf32>
    %eq3A_298 = arith.cmpf oeq, %select_n3A_293, %eq3A_297 : vector<96x2800xf32>
    %jit3A_299 = arith.constant 0.000000e+00 : f32
    %broadcast_in_dim3A_300 = vector.broadcast %jit3A_299 : f32 to vector<96x2800xf32>
    %select_n3A_301 = arith.select %eq3A_298, %concatenate3A_200, %broadcast_in_dim3A_300 : vector<96x2800xi1>, vector<96x2800xf32>
    %reduce_sum3A_302 = arith.constant dense<0.000000e+00> : vector<96xf32>
    %reduce_sum3A_303 = vector.multi_reduction <add>, %select_n3A_301, %reduce_sum3A_302 [1] : vector<96x2800xf32> to vector<96xf32>
    %broadcast_in_dim3A_304 = vector.shape_cast %reduce_sum3A_303 : vector<96xf32> to vector<96x1xf32>
    %jit3A_305 = arith.constant 0x7F800000 : f32
    %broadcast_in_dim3A_306 = vector.broadcast %jit3A_305 : f32 to vector<96x2800xf32>
    %select_n3A_307 = arith.select %eq3A_298, %broadcast_in_dim3A_306, %select_n3A_293 : vector<96x2800xi1>, vector<96x2800xf32>
    %reduce_min3A_308 = arith.constant dense<0x7F800000> : vector<96xf32>
    %reduce_min3A_309 = vector.multi_reduction <minimumf>, %select_n3A_307, %reduce_min3A_308 [1] : vector<96x2800xf32> to vector<96xf32>
    %broadcast_in_dim3A_310 = vector.shape_cast %reduce_min3A_309 : vector<96xf32> to vector<96x1xf32>
    %eq3A_311 = vector.broadcast %broadcast_in_dim3A_310 : vector<96x1xf32> to vector<96x2800xf32>
    %eq3A_312 = arith.cmpf oeq, %select_n3A_307, %eq3A_311 : vector<96x2800xf32>
    %jit3A_313 = arith.constant 0.000000e+00 : f32
    %broadcast_in_dim3A_314 = vector.broadcast %jit3A_313 : f32 to vector<96x2800xf32>
    %select_n3A_315 = arith.select %eq3A_312, %concatenate3A_200, %broadcast_in_dim3A_314 : vector<96x2800xi1>, vector<96x2800xf32>
    %reduce_sum3A_316 = arith.constant dense<0.000000e+00> : vector<96xf32>
    %reduce_sum3A_317 = vector.multi_reduction <add>, %select_n3A_315, %reduce_sum3A_316 [1] : vector<96x2800xf32> to vector<96xf32>
    %broadcast_in_dim3A_318 = vector.shape_cast %reduce_sum3A_317 : vector<96xf32> to vector<96x1xf32>
    %jit3A_319 = arith.constant 0x7F800000 : f32
    %broadcast_in_dim3A_320 = vector.broadcast %jit3A_319 : f32 to vector<96x2800xf32>
    %select_n3A_321 = arith.select %eq3A_312, %broadcast_in_dim3A_320, %select_n3A_307 : vector<96x2800xi1>, vector<96x2800xf32>
    %eq3A_322 = arith.constant 0x7F800000 : f32
    %eq3A_323 = vector.broadcast %eq3A_322 : f32 to vector<96x2800xf32>
    %eq3A_324 = arith.cmpf oeq, %select_n3A_321, %eq3A_323 : vector<96x2800xf32>
    %jit3A_325 = arith.constant 1.000000e+00 : f32
    %jit3A_326 = arith.constant 0.000000e+00 : f32
    %broadcast_in_dim3A_327 = vector.broadcast %jit3A_325 : f32 to vector<96x2800xf32>
    %broadcast_in_dim3A_328 = vector.broadcast %jit3A_326 : f32 to vector<96x2800xf32>
    %select_n3A_329 = arith.select %eq3A_324, %broadcast_in_dim3A_327, %broadcast_in_dim3A_328 : vector<96x2800xi1>, vector<96x2800xf32>
    %reduce_sum3A_330 = arith.constant dense<0.000000e+00> : vector<96xf32>
    %reduce_sum3A_331 = vector.multi_reduction <add>, %select_n3A_329, %reduce_sum3A_330 [1] : vector<96x2800xf32> to vector<96xf32>
    %broadcast_in_dim3A_332 = vector.shape_cast %reduce_sum3A_331 : vector<96xf32> to vector<96x1xf32>
    %sub3A_333 = arith.constant 9.000000e+00 : f32
    %sub3A_334 = vector.broadcast %sub3A_333 : f32 to vector<96x1xf32>
    %sub3A_335 = arith.subf %broadcast_in_dim3A_332, %sub3A_334 : vector<96x1xf32>
    %abs3A = math.absf %sub3A_335 : vector<96x1xf32>
    %reduce_max3A = vector.shape_cast %abs3A : vector<96x1xf32> to vector<1x96x1xf32>
    %reduce_max3A_336 = arith.constant dense<0xFF800000> : vector<1xf32>
    %reduce_max3A_337 = vector.multi_reduction <maximumf>, %reduce_max3A, %reduce_max3A_336 [1, 2] : vector<1x96x1xf32> to vector<1xf32>
    %reduce_max3A_338 = vector.shape_cast %reduce_max3A_337 : vector<1xf32> to vector<1x1x1xf32>
    %reduce_max3A_339 = vector.extract %reduce_max3A_338[0, 0, 0] : f32 from vector<1x1x1xf32>
    %gt3A = arith.constant 0.000000e+00 : f32
    %gt3A_340 = arith.cmpf ogt, %reduce_max3A_339, %gt3A : f32
    %convert_element_type3A = arith.extui %gt3A_340 : i1 to i32
    %cond3A = arith.constant 0 : i32
    %cond3A_341 = arith.cmpi ne, %convert_element_type3A, %cond3A : i32
    %cond3A_342:2 = scf.if %cond3A_341 -> (vector<96x2800xf32>, vector<96x9xf32>) {
      %iota3A_917 = tpu.iota {dimensions = array<i32: 1>} : vector<96x2800xi32>
      %reduce_min3A_918 = arith.constant dense<0x7F800000> : vector<96xf32>
      %reduce_min3A_919 = vector.multi_reduction <minimumf>, %concatenate3A, %reduce_min3A_918 [1] : vector<96x2800xf32> to vector<96xf32>
      %broadcast_in_dim3A_920 = vector.shape_cast %reduce_min3A_919 : vector<96xf32> to vector<96x1xf32>
      %eq3A_921 = vector.broadcast %broadcast_in_dim3A_920 : vector<96x1xf32> to vector<96x2800xf32>
      %eq3A_922 = arith.cmpf oeq, %concatenate3A, %eq3A_921 : vector<96x2800xf32>
      %jit3A_923 = arith.constant 1073741824 : i32
      %broadcast_in_dim3A_924 = vector.broadcast %jit3A_923 : i32 to vector<96x2800xi32>
      %select_n3A_925 = arith.select %eq3A_922, %iota3A_917, %broadcast_in_dim3A_924 : vector<96x2800xi1>, vector<96x2800xi32>
      %reduce_min3A_926 = arith.constant dense<2147483647> : vector<96xi32>
      %reduce_min3A_927 = vector.multi_reduction <minsi>, %select_n3A_925, %reduce_min3A_926 [1] : vector<96x2800xi32> to vector<96xi32>
      %broadcast_in_dim3A_928 = vector.shape_cast %reduce_min3A_927 : vector<96xi32> to vector<96x1xi32>
      %eq3A_929 = vector.broadcast %broadcast_in_dim3A_928 : vector<96x1xi32> to vector<96x2800xi32>
      %eq3A_930 = arith.cmpi eq, %iota3A_917, %eq3A_929 : vector<96x2800xi32>
      %jit3A_931 = arith.constant 0.000000e+00 : f32
      %broadcast_in_dim3A_932 = vector.broadcast %jit3A_931 : f32 to vector<96x2800xf32>
      %select_n3A_933 = arith.select %eq3A_930, %concatenate3A_200, %broadcast_in_dim3A_932 : vector<96x2800xi1>, vector<96x2800xf32>
      %reduce_sum3A_934 = arith.constant dense<0.000000e+00> : vector<96xf32>
      %reduce_sum3A_935 = vector.multi_reduction <add>, %select_n3A_933, %reduce_sum3A_934 [1] : vector<96x2800xf32> to vector<96xf32>
      %broadcast_in_dim3A_936 = vector.shape_cast %reduce_sum3A_935 : vector<96xf32> to vector<96x1xf32>
      %jit3A_937 = arith.constant 0x7F800000 : f32
      %broadcast_in_dim3A_938 = vector.broadcast %jit3A_937 : f32 to vector<96x2800xf32>
      %select_n3A_939 = arith.select %eq3A_930, %broadcast_in_dim3A_938, %concatenate3A : vector<96x2800xi1>, vector<96x2800xf32>
      %reduce_min3A_940 = arith.constant dense<0x7F800000> : vector<96xf32>
      %reduce_min3A_941 = vector.multi_reduction <minimumf>, %select_n3A_939, %reduce_min3A_940 [1] : vector<96x2800xf32> to vector<96xf32>
      %broadcast_in_dim3A_942 = vector.shape_cast %reduce_min3A_941 : vector<96xf32> to vector<96x1xf32>
      %eq3A_943 = vector.broadcast %broadcast_in_dim3A_942 : vector<96x1xf32> to vector<96x2800xf32>
      %eq3A_944 = arith.cmpf oeq, %select_n3A_939, %eq3A_943 : vector<96x2800xf32>
      %jit3A_945 = arith.constant 1073741824 : i32
      %broadcast_in_dim3A_946 = vector.broadcast %jit3A_945 : i32 to vector<96x2800xi32>
      %select_n3A_947 = arith.select %eq3A_944, %iota3A_917, %broadcast_in_dim3A_946 : vector<96x2800xi1>, vector<96x2800xi32>
      %reduce_min3A_948 = arith.constant dense<2147483647> : vector<96xi32>
      %reduce_min3A_949 = vector.multi_reduction <minsi>, %select_n3A_947, %reduce_min3A_948 [1] : vector<96x2800xi32> to vector<96xi32>
      %broadcast_in_dim3A_950 = vector.shape_cast %reduce_min3A_949 : vector<96xi32> to vector<96x1xi32>
      %eq3A_951 = vector.broadcast %broadcast_in_dim3A_950 : vector<96x1xi32> to vector<96x2800xi32>
      %eq3A_952 = arith.cmpi eq, %iota3A_917, %eq3A_951 : vector<96x2800xi32>
      %jit3A_953 = arith.constant 0.000000e+00 : f32
      %broadcast_in_dim3A_954 = vector.broadcast %jit3A_953 : f32 to vector<96x2800xf32>
      %select_n3A_955 = arith.select %eq3A_952, %concatenate3A_200, %broadcast_in_dim3A_954 : vector<96x2800xi1>, vector<96x2800xf32>
      %reduce_sum3A_956 = arith.constant dense<0.000000e+00> : vector<96xf32>
      %reduce_sum3A_957 = vector.multi_reduction <add>, %select_n3A_955, %reduce_sum3A_956 [1] : vector<96x2800xf32> to vector<96xf32>
      %broadcast_in_dim3A_958 = vector.shape_cast %reduce_sum3A_957 : vector<96xf32> to vector<96x1xf32>
      %jit3A_959 = arith.constant 0x7F800000 : f32
      %broadcast_in_dim3A_960 = vector.broadcast %jit3A_959 : f32 to vector<96x2800xf32>
      %select_n3A_961 = arith.select %eq3A_952, %broadcast_in_dim3A_960, %select_n3A_939 : vector<96x2800xi1>, vector<96x2800xf32>
      %reduce_min3A_962 = arith.constant dense<0x7F800000> : vector<96xf32>
      %reduce_min3A_963 = vector.multi_reduction <minimumf>, %select_n3A_961, %reduce_min3A_962 [1] : vector<96x2800xf32> to vector<96xf32>
      %broadcast_in_dim3A_964 = vector.shape_cast %reduce_min3A_963 : vector<96xf32> to vector<96x1xf32>
      %eq3A_965 = vector.broadcast %broadcast_in_dim3A_964 : vector<96x1xf32> to vector<96x2800xf32>
      %eq3A_966 = arith.cmpf oeq, %select_n3A_961, %eq3A_965 : vector<96x2800xf32>
      %jit3A_967 = arith.constant 1073741824 : i32
      %broadcast_in_dim3A_968 = vector.broadcast %jit3A_967 : i32 to vector<96x2800xi32>
      %select_n3A_969 = arith.select %eq3A_966, %iota3A_917, %broadcast_in_dim3A_968 : vector<96x2800xi1>, vector<96x2800xi32>
      %reduce_min3A_970 = arith.constant dense<2147483647> : vector<96xi32>
      %reduce_min3A_971 = vector.multi_reduction <minsi>, %select_n3A_969, %reduce_min3A_970 [1] : vector<96x2800xi32> to vector<96xi32>
      %broadcast_in_dim3A_972 = vector.shape_cast %reduce_min3A_971 : vector<96xi32> to vector<96x1xi32>
      %eq3A_973 = vector.broadcast %broadcast_in_dim3A_972 : vector<96x1xi32> to vector<96x2800xi32>
      %eq3A_974 = arith.cmpi eq, %iota3A_917, %eq3A_973 : vector<96x2800xi32>
      %jit3A_975 = arith.constant 0.000000e+00 : f32
      %broadcast_in_dim3A_976 = vector.broadcast %jit3A_975 : f32 to vector<96x2800xf32>
      %select_n3A_977 = arith.select %eq3A_974, %concatenate3A_200, %broadcast_in_dim3A_976 : vector<96x2800xi1>, vector<96x2800xf32>
      %reduce_sum3A_978 = arith.constant dense<0.000000e+00> : vector<96xf32>
      %reduce_sum3A_979 = vector.multi_reduction <add>, %select_n3A_977, %reduce_sum3A_978 [1] : vector<96x2800xf32> to vector<96xf32>
      %broadcast_in_dim3A_980 = vector.shape_cast %reduce_sum3A_979 : vector<96xf32> to vector<96x1xf32>
      %jit3A_981 = arith.constant 0x7F800000 : f32
      %broadcast_in_dim3A_982 = vector.broadcast %jit3A_981 : f32 to vector<96x2800xf32>
      %select_n3A_983 = arith.select %eq3A_974, %broadcast_in_dim3A_982, %select_n3A_961 : vector<96x2800xi1>, vector<96x2800xf32>
      %reduce_min3A_984 = arith.constant dense<0x7F800000> : vector<96xf32>
      %reduce_min3A_985 = vector.multi_reduction <minimumf>, %select_n3A_983, %reduce_min3A_984 [1] : vector<96x2800xf32> to vector<96xf32>
      %broadcast_in_dim3A_986 = vector.shape_cast %reduce_min3A_985 : vector<96xf32> to vector<96x1xf32>
      %eq3A_987 = vector.broadcast %broadcast_in_dim3A_986 : vector<96x1xf32> to vector<96x2800xf32>
      %eq3A_988 = arith.cmpf oeq, %select_n3A_983, %eq3A_987 : vector<96x2800xf32>
      %jit3A_989 = arith.constant 1073741824 : i32
      %broadcast_in_dim3A_990 = vector.broadcast %jit3A_989 : i32 to vector<96x2800xi32>
      %select_n3A_991 = arith.select %eq3A_988, %iota3A_917, %broadcast_in_dim3A_990 : vector<96x2800xi1>, vector<96x2800xi32>
      %reduce_min3A_992 = arith.constant dense<2147483647> : vector<96xi32>
      %reduce_min3A_993 = vector.multi_reduction <minsi>, %select_n3A_991, %reduce_min3A_992 [1] : vector<96x2800xi32> to vector<96xi32>
      %broadcast_in_dim3A_994 = vector.shape_cast %reduce_min3A_993 : vector<96xi32> to vector<96x1xi32>
      %eq3A_995 = vector.broadcast %broadcast_in_dim3A_994 : vector<96x1xi32> to vector<96x2800xi32>
      %eq3A_996 = arith.cmpi eq, %iota3A_917, %eq3A_995 : vector<96x2800xi32>
      %jit3A_997 = arith.constant 0.000000e+00 : f32
      %broadcast_in_dim3A_998 = vector.broadcast %jit3A_997 : f32 to vector<96x2800xf32>
      %select_n3A_999 = arith.select %eq3A_996, %concatenate3A_200, %broadcast_in_dim3A_998 : vector<96x2800xi1>, vector<96x2800xf32>
      %reduce_sum3A_1000 = arith.constant dense<0.000000e+00> : vector<96xf32>
      %reduce_sum3A_1001 = vector.multi_reduction <add>, %select_n3A_999, %reduce_sum3A_1000 [1] : vector<96x2800xf32> to vector<96xf32>
      %broadcast_in_dim3A_1002 = vector.shape_cast %reduce_sum3A_1001 : vector<96xf32> to vector<96x1xf32>
      %jit3A_1003 = arith.constant 0x7F800000 : f32
      %broadcast_in_dim3A_1004 = vector.broadcast %jit3A_1003 : f32 to vector<96x2800xf32>
      %select_n3A_1005 = arith.select %eq3A_996, %broadcast_in_dim3A_1004, %select_n3A_983 : vector<96x2800xi1>, vector<96x2800xf32>
      %reduce_min3A_1006 = arith.constant dense<0x7F800000> : vector<96xf32>
      %reduce_min3A_1007 = vector.multi_reduction <minimumf>, %select_n3A_1005, %reduce_min3A_1006 [1] : vector<96x2800xf32> to vector<96xf32>
      %broadcast_in_dim3A_1008 = vector.shape_cast %reduce_min3A_1007 : vector<96xf32> to vector<96x1xf32>
      %eq3A_1009 = vector.broadcast %broadcast_in_dim3A_1008 : vector<96x1xf32> to vector<96x2800xf32>
      %eq3A_1010 = arith.cmpf oeq, %select_n3A_1005, %eq3A_1009 : vector<96x2800xf32>
      %jit3A_1011 = arith.constant 1073741824 : i32
      %broadcast_in_dim3A_1012 = vector.broadcast %jit3A_1011 : i32 to vector<96x2800xi32>
      %select_n3A_1013 = arith.select %eq3A_1010, %iota3A_917, %broadcast_in_dim3A_1012 : vector<96x2800xi1>, vector<96x2800xi32>
      %reduce_min3A_1014 = arith.constant dense<2147483647> : vector<96xi32>
      %reduce_min3A_1015 = vector.multi_reduction <minsi>, %select_n3A_1013, %reduce_min3A_1014 [1] : vector<96x2800xi32> to vector<96xi32>
      %broadcast_in_dim3A_1016 = vector.shape_cast %reduce_min3A_1015 : vector<96xi32> to vector<96x1xi32>
      %eq3A_1017 = vector.broadcast %broadcast_in_dim3A_1016 : vector<96x1xi32> to vector<96x2800xi32>
      %eq3A_1018 = arith.cmpi eq, %iota3A_917, %eq3A_1017 : vector<96x2800xi32>
      %jit3A_1019 = arith.constant 0.000000e+00 : f32
      %broadcast_in_dim3A_1020 = vector.broadcast %jit3A_1019 : f32 to vector<96x2800xf32>
      %select_n3A_1021 = arith.select %eq3A_1018, %concatenate3A_200, %broadcast_in_dim3A_1020 : vector<96x2800xi1>, vector<96x2800xf32>
      %reduce_sum3A_1022 = arith.constant dense<0.000000e+00> : vector<96xf32>
      %reduce_sum3A_1023 = vector.multi_reduction <add>, %select_n3A_1021, %reduce_sum3A_1022 [1] : vector<96x2800xf32> to vector<96xf32>
      %broadcast_in_dim3A_1024 = vector.shape_cast %reduce_sum3A_1023 : vector<96xf32> to vector<96x1xf32>
      %jit3A_1025 = arith.constant 0x7F800000 : f32
      %broadcast_in_dim3A_1026 = vector.broadcast %jit3A_1025 : f32 to vector<96x2800xf32>
      %select_n3A_1027 = arith.select %eq3A_1018, %broadcast_in_dim3A_1026, %select_n3A_1005 : vector<96x2800xi1>, vector<96x2800xf32>
      %reduce_min3A_1028 = arith.constant dense<0x7F800000> : vector<96xf32>
      %reduce_min3A_1029 = vector.multi_reduction <minimumf>, %select_n3A_1027, %reduce_min3A_1028 [1] : vector<96x2800xf32> to vector<96xf32>
      %broadcast_in_dim3A_1030 = vector.shape_cast %reduce_min3A_1029 : vector<96xf32> to vector<96x1xf32>
      %eq3A_1031 = vector.broadcast %broadcast_in_dim3A_1030 : vector<96x1xf32> to vector<96x2800xf32>
      %eq3A_1032 = arith.cmpf oeq, %select_n3A_1027, %eq3A_1031 : vector<96x2800xf32>
      %jit3A_1033 = arith.constant 1073741824 : i32
      %broadcast_in_dim3A_1034 = vector.broadcast %jit3A_1033 : i32 to vector<96x2800xi32>
      %select_n3A_1035 = arith.select %eq3A_1032, %iota3A_917, %broadcast_in_dim3A_1034 : vector<96x2800xi1>, vector<96x2800xi32>
      %reduce_min3A_1036 = arith.constant dense<2147483647> : vector<96xi32>
      %reduce_min3A_1037 = vector.multi_reduction <minsi>, %select_n3A_1035, %reduce_min3A_1036 [1] : vector<96x2800xi32> to vector<96xi32>
      %broadcast_in_dim3A_1038 = vector.shape_cast %reduce_min3A_1037 : vector<96xi32> to vector<96x1xi32>
      %eq3A_1039 = vector.broadcast %broadcast_in_dim3A_1038 : vector<96x1xi32> to vector<96x2800xi32>
      %eq3A_1040 = arith.cmpi eq, %iota3A_917, %eq3A_1039 : vector<96x2800xi32>
      %jit3A_1041 = arith.constant 0.000000e+00 : f32
      %broadcast_in_dim3A_1042 = vector.broadcast %jit3A_1041 : f32 to vector<96x2800xf32>
      %select_n3A_1043 = arith.select %eq3A_1040, %concatenate3A_200, %broadcast_in_dim3A_1042 : vector<96x2800xi1>, vector<96x2800xf32>
      %reduce_sum3A_1044 = arith.constant dense<0.000000e+00> : vector<96xf32>
      %reduce_sum3A_1045 = vector.multi_reduction <add>, %select_n3A_1043, %reduce_sum3A_1044 [1] : vector<96x2800xf32> to vector<96xf32>
      %broadcast_in_dim3A_1046 = vector.shape_cast %reduce_sum3A_1045 : vector<96xf32> to vector<96x1xf32>
      %jit3A_1047 = arith.constant 0x7F800000 : f32
      %broadcast_in_dim3A_1048 = vector.broadcast %jit3A_1047 : f32 to vector<96x2800xf32>
      %select_n3A_1049 = arith.select %eq3A_1040, %broadcast_in_dim3A_1048, %select_n3A_1027 : vector<96x2800xi1>, vector<96x2800xf32>
      %reduce_min3A_1050 = arith.constant dense<0x7F800000> : vector<96xf32>
      %reduce_min3A_1051 = vector.multi_reduction <minimumf>, %select_n3A_1049, %reduce_min3A_1050 [1] : vector<96x2800xf32> to vector<96xf32>
      %broadcast_in_dim3A_1052 = vector.shape_cast %reduce_min3A_1051 : vector<96xf32> to vector<96x1xf32>
      %eq3A_1053 = vector.broadcast %broadcast_in_dim3A_1052 : vector<96x1xf32> to vector<96x2800xf32>
      %eq3A_1054 = arith.cmpf oeq, %select_n3A_1049, %eq3A_1053 : vector<96x2800xf32>
      %jit3A_1055 = arith.constant 1073741824 : i32
      %broadcast_in_dim3A_1056 = vector.broadcast %jit3A_1055 : i32 to vector<96x2800xi32>
      %select_n3A_1057 = arith.select %eq3A_1054, %iota3A_917, %broadcast_in_dim3A_1056 : vector<96x2800xi1>, vector<96x2800xi32>
      %reduce_min3A_1058 = arith.constant dense<2147483647> : vector<96xi32>
      %reduce_min3A_1059 = vector.multi_reduction <minsi>, %select_n3A_1057, %reduce_min3A_1058 [1] : vector<96x2800xi32> to vector<96xi32>
      %broadcast_in_dim3A_1060 = vector.shape_cast %reduce_min3A_1059 : vector<96xi32> to vector<96x1xi32>
      %eq3A_1061 = vector.broadcast %broadcast_in_dim3A_1060 : vector<96x1xi32> to vector<96x2800xi32>
      %eq3A_1062 = arith.cmpi eq, %iota3A_917, %eq3A_1061 : vector<96x2800xi32>
      %jit3A_1063 = arith.constant 0.000000e+00 : f32
      %broadcast_in_dim3A_1064 = vector.broadcast %jit3A_1063 : f32 to vector<96x2800xf32>
      %select_n3A_1065 = arith.select %eq3A_1062, %concatenate3A_200, %broadcast_in_dim3A_1064 : vector<96x2800xi1>, vector<96x2800xf32>
      %reduce_sum3A_1066 = arith.constant dense<0.000000e+00> : vector<96xf32>
      %reduce_sum3A_1067 = vector.multi_reduction <add>, %select_n3A_1065, %reduce_sum3A_1066 [1] : vector<96x2800xf32> to vector<96xf32>
      %broadcast_in_dim3A_1068 = vector.shape_cast %reduce_sum3A_1067 : vector<96xf32> to vector<96x1xf32>
      %jit3A_1069 = arith.constant 0x7F800000 : f32
      %broadcast_in_dim3A_1070 = vector.broadcast %jit3A_1069 : f32 to vector<96x2800xf32>
      %select_n3A_1071 = arith.select %eq3A_1062, %broadcast_in_dim3A_1070, %select_n3A_1049 : vector<96x2800xi1>, vector<96x2800xf32>
      %reduce_min3A_1072 = arith.constant dense<0x7F800000> : vector<96xf32>
      %reduce_min3A_1073 = vector.multi_reduction <minimumf>, %select_n3A_1071, %reduce_min3A_1072 [1] : vector<96x2800xf32> to vector<96xf32>
      %broadcast_in_dim3A_1074 = vector.shape_cast %reduce_min3A_1073 : vector<96xf32> to vector<96x1xf32>
      %eq3A_1075 = vector.broadcast %broadcast_in_dim3A_1074 : vector<96x1xf32> to vector<96x2800xf32>
      %eq3A_1076 = arith.cmpf oeq, %select_n3A_1071, %eq3A_1075 : vector<96x2800xf32>
      %jit3A_1077 = arith.constant 1073741824 : i32
      %broadcast_in_dim3A_1078 = vector.broadcast %jit3A_1077 : i32 to vector<96x2800xi32>
      %select_n3A_1079 = arith.select %eq3A_1076, %iota3A_917, %broadcast_in_dim3A_1078 : vector<96x2800xi1>, vector<96x2800xi32>
      %reduce_min3A_1080 = arith.constant dense<2147483647> : vector<96xi32>
      %reduce_min3A_1081 = vector.multi_reduction <minsi>, %select_n3A_1079, %reduce_min3A_1080 [1] : vector<96x2800xi32> to vector<96xi32>
      %broadcast_in_dim3A_1082 = vector.shape_cast %reduce_min3A_1081 : vector<96xi32> to vector<96x1xi32>
      %eq3A_1083 = vector.broadcast %broadcast_in_dim3A_1082 : vector<96x1xi32> to vector<96x2800xi32>
      %eq3A_1084 = arith.cmpi eq, %iota3A_917, %eq3A_1083 : vector<96x2800xi32>
      %jit3A_1085 = arith.constant 0.000000e+00 : f32
      %broadcast_in_dim3A_1086 = vector.broadcast %jit3A_1085 : f32 to vector<96x2800xf32>
      %select_n3A_1087 = arith.select %eq3A_1084, %concatenate3A_200, %broadcast_in_dim3A_1086 : vector<96x2800xi1>, vector<96x2800xf32>
      %reduce_sum3A_1088 = arith.constant dense<0.000000e+00> : vector<96xf32>
      %reduce_sum3A_1089 = vector.multi_reduction <add>, %select_n3A_1087, %reduce_sum3A_1088 [1] : vector<96x2800xf32> to vector<96xf32>
      %broadcast_in_dim3A_1090 = vector.shape_cast %reduce_sum3A_1089 : vector<96xf32> to vector<96x1xf32>
      %jit3A_1091 = arith.constant 0x7F800000 : f32
      %broadcast_in_dim3A_1092 = vector.broadcast %jit3A_1091 : f32 to vector<96x2800xf32>
      %select_n3A_1093 = arith.select %eq3A_1084, %broadcast_in_dim3A_1092, %select_n3A_1071 : vector<96x2800xi1>, vector<96x2800xf32>
      %reduce_min3A_1094 = arith.constant dense<0x7F800000> : vector<96xf32>
      %reduce_min3A_1095 = vector.multi_reduction <minimumf>, %select_n3A_1093, %reduce_min3A_1094 [1] : vector<96x2800xf32> to vector<96xf32>
      %broadcast_in_dim3A_1096 = vector.shape_cast %reduce_min3A_1095 : vector<96xf32> to vector<96x1xf32>
      %eq3A_1097 = vector.broadcast %broadcast_in_dim3A_1096 : vector<96x1xf32> to vector<96x2800xf32>
      %eq3A_1098 = arith.cmpf oeq, %select_n3A_1093, %eq3A_1097 : vector<96x2800xf32>
      %jit3A_1099 = arith.constant 1073741824 : i32
      %broadcast_in_dim3A_1100 = vector.broadcast %jit3A_1099 : i32 to vector<96x2800xi32>
      %select_n3A_1101 = arith.select %eq3A_1098, %iota3A_917, %broadcast_in_dim3A_1100 : vector<96x2800xi1>, vector<96x2800xi32>
      %reduce_min3A_1102 = arith.constant dense<2147483647> : vector<96xi32>
      %reduce_min3A_1103 = vector.multi_reduction <minsi>, %select_n3A_1101, %reduce_min3A_1102 [1] : vector<96x2800xi32> to vector<96xi32>
      %broadcast_in_dim3A_1104 = vector.shape_cast %reduce_min3A_1103 : vector<96xi32> to vector<96x1xi32>
      %eq3A_1105 = vector.broadcast %broadcast_in_dim3A_1104 : vector<96x1xi32> to vector<96x2800xi32>
      %eq3A_1106 = arith.cmpi eq, %iota3A_917, %eq3A_1105 : vector<96x2800xi32>
      %jit3A_1107 = arith.constant 0.000000e+00 : f32
      %broadcast_in_dim3A_1108 = vector.broadcast %jit3A_1107 : f32 to vector<96x2800xf32>
      %select_n3A_1109 = arith.select %eq3A_1106, %concatenate3A_200, %broadcast_in_dim3A_1108 : vector<96x2800xi1>, vector<96x2800xf32>
      %reduce_sum3A_1110 = arith.constant dense<0.000000e+00> : vector<96xf32>
      %reduce_sum3A_1111 = vector.multi_reduction <add>, %select_n3A_1109, %reduce_sum3A_1110 [1] : vector<96x2800xf32> to vector<96xf32>
      %broadcast_in_dim3A_1112 = vector.shape_cast %reduce_sum3A_1111 : vector<96xf32> to vector<96x1xf32>
      %jit3A_1113 = arith.constant 0x7F800000 : f32
      %broadcast_in_dim3A_1114 = vector.broadcast %jit3A_1113 : f32 to vector<96x2800xf32>
      %select_n3A_1115 = arith.select %eq3A_1106, %broadcast_in_dim3A_1114, %select_n3A_1093 : vector<96x2800xi1>, vector<96x2800xf32>
      %concatenate3A_1116 = tpu.concatenate %broadcast_in_dim3A_936, %broadcast_in_dim3A_958, %broadcast_in_dim3A_980, %broadcast_in_dim3A_1002, %broadcast_in_dim3A_1024, %broadcast_in_dim3A_1046, %broadcast_in_dim3A_1068, %broadcast_in_dim3A_1090, %broadcast_in_dim3A_1112 in 1 : vector<96x1xf32>, vector<96x1xf32>, vector<96x1xf32>, vector<96x1xf32>, vector<96x1xf32>, vector<96x1xf32>, vector<96x1xf32>, vector<96x1xf32>, vector<96x1xf32> -> vector<96x9xf32>
      scf.yield %select_n3A_1115, %concatenate3A_1116 : vector<96x2800xf32>, vector<96x9xf32>
    } else {
      %concatenate3A_917 = tpu.concatenate %broadcast_in_dim3A_206, %broadcast_in_dim3A_220, %broadcast_in_dim3A_234, %broadcast_in_dim3A_248, %broadcast_in_dim3A_262, %broadcast_in_dim3A_276, %broadcast_in_dim3A_290, %broadcast_in_dim3A_304, %broadcast_in_dim3A_318 in 1 : vector<96x1xf32>, vector<96x1xf32>, vector<96x1xf32>, vector<96x1xf32>, vector<96x1xf32>, vector<96x1xf32>, vector<96x1xf32>, vector<96x1xf32>, vector<96x1xf32> -> vector<96x9xf32>
      scf.yield %select_n3A_321, %concatenate3A_917 : vector<96x2800xf32>, vector<96x9xf32>
    }
    %slice3A_343 = vector.extract_strided_slice %cond3A_342#0 {offsets = [0, 0], sizes = [32, 2800], strides = [1, 1]} : vector<96x2800xf32> to vector<32x2800xf32>
    %eq3A_344 = arith.constant 0x7F800000 : f32
    %eq3A_345 = vector.broadcast %eq3A_344 : f32 to vector<32x2800xf32>
    %eq3A_346 = arith.cmpf oeq, %slice3A_343, %eq3A_345 : vector<32x2800xf32>
    %slice3A_347 = vector.extract_strided_slice %cond3A_342#0 {offsets = [32, 0], sizes = [32, 2800], strides = [1, 1]} : vector<96x2800xf32> to vector<32x2800xf32>
    %eq3A_348 = arith.constant 0x7F800000 : f32
    %eq3A_349 = vector.broadcast %eq3A_348 : f32 to vector<32x2800xf32>
    %eq3A_350 = arith.cmpf oeq, %slice3A_347, %eq3A_349 : vector<32x2800xf32>
    %slice3A_351 = vector.extract_strided_slice %cond3A_342#0 {offsets = [64, 0], sizes = [32, 2800], strides = [1, 1]} : vector<96x2800xf32> to vector<32x2800xf32>
    %eq3A_352 = arith.constant 0x7F800000 : f32
    %eq3A_353 = vector.broadcast %eq3A_352 : f32 to vector<32x2800xf32>
    %eq3A_354 = arith.cmpf oeq, %slice3A_351, %eq3A_353 : vector<32x2800xf32>
    %slice3A_355 = vector.extract_strided_slice %cond3A_342#1 {offsets = [0, 0], sizes = [32, 9], strides = [1, 1]} : vector<96x9xf32> to vector<32x9xf32>
    %slice3A_356 = vector.extract_strided_slice %cond3A_342#1 {offsets = [32, 0], sizes = [32, 9], strides = [1, 1]} : vector<96x9xf32> to vector<32x9xf32>
    %slice3A_357 = vector.extract_strided_slice %cond3A_342#1 {offsets = [64, 0], sizes = [32, 9], strides = [1, 1]} : vector<96x9xf32> to vector<32x9xf32>
    %concatenate3A_358 = tpu.concatenate %slice3A_355, %slice3A_356, %slice3A_357 in 1 : vector<32x9xf32>, vector<32x9xf32>, vector<32x9xf32> -> vector<32x27xf32>
    %reduce_sum3A_359 = arith.constant dense<0.000000e+00> : vector<32xf32>
    %reduce_sum3A_360 = vector.multi_reduction <add>, %concatenate3A_358, %reduce_sum3A_359 [1] : vector<32x27xf32> to vector<32xf32>
    %broadcast_in_dim3A_361 = vector.shape_cast %reduce_sum3A_360 : vector<32xf32> to vector<32x1xf32>
    %div3A_362 = arith.constant 2.700000e+01 : f32
    %div3A_363 = vector.broadcast %div3A_362 : f32 to vector<32x1xf32>
    %div3A_364 = arith.divf %broadcast_in_dim3A_361, %div3A_363 : vector<32x1xf32>
    %sub3A_365 = vector.broadcast %div3A_364 : vector<32x1xf32> to vector<32x27xf32>
    %sub3A_366 = arith.subf %concatenate3A_358, %sub3A_365 : vector<32x27xf32>
    %mul3A_367 = arith.mulf %sub3A_366, %sub3A_366 : vector<32x27xf32>
    %reduce_sum3A_368 = arith.constant dense<0.000000e+00> : vector<32xf32>
    %reduce_sum3A_369 = vector.multi_reduction <add>, %mul3A_367, %reduce_sum3A_368 [1] : vector<32x27xf32> to vector<32xf32>
    %broadcast_in_dim3A_370 = vector.shape_cast %reduce_sum3A_369 : vector<32xf32> to vector<32x1xf32>
    %div3A_371 = arith.constant 2.600000e+01 : f32
    %div3A_372 = vector.broadcast %div3A_371 : f32 to vector<32x1xf32>
    %div3A_373 = arith.divf %broadcast_in_dim3A_370, %div3A_372 : vector<32x1xf32>
    %sqrt3A_374 = math.sqrt %div3A_373 : vector<32x1xf32>
    %add3A_375 = arith.addf %div3A_364, %sqrt3A_374 : vector<32x1xf32>
    %gt3A_376 = arith.constant 0.000000e+00 : f32
    %gt3A_377 = vector.broadcast %gt3A_376 : f32 to vector<32x1xf32>
    %gt3A_378 = arith.cmpf ogt, %get3A_16, %gt3A_377 : vector<32x1xf32>
    %iota3A = tpu.iota {dimensions = array<i32: 0>} : vector<32x2800xi32>
    %iota3A_379 = tpu.iota {dimensions = array<i32: 1>} : vector<32x80xi32>
    %eq3A_380 = vector.broadcast %get3A_11 : vector<32x1xi32> to vector<32x80xi32>
    %eq3A_381 = arith.cmpi eq, %iota3A_379, %eq3A_380 : vector<32x80xi32>
    %jit3A_382 = arith.constant 1.000000e+00 : f32
    %jit3A_383 = arith.constant 0.000000e+00 : f32
    %broadcast_in_dim3A_384 = vector.broadcast %jit3A_382 : f32 to vector<32x80xf32>
    %broadcast_in_dim3A_385 = vector.broadcast %jit3A_383 : f32 to vector<32x80xf32>
    %select_n3A_386 = arith.select %eq3A_381, %broadcast_in_dim3A_384, %broadcast_in_dim3A_385 : vector<32x80xi1>, vector<32x80xf32>
    %convert_element_type3A_387 = arith.sitofp %get3A_11 : vector<32x1xi32> to vector<32x1xf32>
    %gt3A_388 = vector.broadcast %add3A_375 : vector<32x1xf32> to vector<32x2800xf32>
    %gt3A_389 = arith.cmpf ogt, %div3A_70, %gt3A_388 : vector<32x2800xf32>
    %and3A = arith.andi %eq3A_346, %gt3A_389 : vector<32x2800xi1>
    %sub3A_390 = vector.broadcast %get3A_26 : vector<1x2800xf32> to vector<32x2800xf32>
    %sub3A_391 = vector.broadcast %slice3A : vector<32x1xf32> to vector<32x2800xf32>
    %sub3A_392 = arith.subf %sub3A_390, %sub3A_391 : vector<32x2800xf32>
    %sub3A_393 = vector.broadcast %get3A_29 : vector<1x2800xf32> to vector<32x2800xf32>
    %sub3A_394 = vector.broadcast %slice3A_4 : vector<32x1xf32> to vector<32x2800xf32>
    %sub3A_395 = arith.subf %sub3A_393, %sub3A_394 : vector<32x2800xf32>
    %min3A_396 = arith.minimumf %sub3A_392, %sub3A_395 : vector<32x2800xf32>
    %sub3A_397 = vector.broadcast %slice3A_5 : vector<32x1xf32> to vector<32x2800xf32>
    %sub3A_398 = vector.broadcast %get3A_26 : vector<1x2800xf32> to vector<32x2800xf32>
    %sub3A_399 = arith.subf %sub3A_397, %sub3A_398 : vector<32x2800xf32>
    %sub3A_400 = vector.broadcast %slice3A_6 : vector<32x1xf32> to vector<32x2800xf32>
    %sub3A_401 = vector.broadcast %get3A_29 : vector<1x2800xf32> to vector<32x2800xf32>
    %sub3A_402 = arith.subf %sub3A_400, %sub3A_401 : vector<32x2800xf32>
    %min3A_403 = arith.minimumf %sub3A_399, %sub3A_402 : vector<32x2800xf32>
    %min3A_404 = arith.minimumf %min3A_396, %min3A_403 : vector<32x2800xf32>
    %gt3A_405 = arith.constant 9.99999971E-10 : f32
    %gt3A_406 = vector.broadcast %gt3A_405 : f32 to vector<32x2800xf32>
    %gt3A_407 = arith.cmpf ogt, %min3A_404, %gt3A_406 : vector<32x2800xf32>
    %and3A_408 = arith.andi %and3A, %gt3A_407 : vector<32x2800xi1>
    %and3A_409 = vector.broadcast %gt3A_378 : vector<32x1xi1> to vector<32x2800xi1>
    %and3A_410 = arith.andi %and3A_408, %and3A_409 : vector<32x2800xi1>
    %jit3A_411 = arith.constant 1.000000e+00 : f32
    %jit3A_412 = arith.constant 0.000000e+00 : f32
    %broadcast_in_dim3A_413 = vector.broadcast %jit3A_411 : f32 to vector<32x2800xf32>
    %broadcast_in_dim3A_414 = vector.broadcast %jit3A_412 : f32 to vector<32x2800xf32>
    %select_n3A_415 = arith.select %and3A_410, %broadcast_in_dim3A_413, %broadcast_in_dim3A_414 : vector<32x2800xi1>, vector<32x2800xf32>
    %reduce_sum3A_416 = arith.constant dense<0.000000e+00> : vector<2800xf32>
    %reduce_sum3A_417 = vector.multi_reduction <add>, %select_n3A_415, %reduce_sum3A_416 [0] : vector<32x2800xf32> to vector<2800xf32>
    %broadcast_in_dim3A_418 = vector.shape_cast %reduce_sum3A_417 : vector<2800xf32> to vector<1x2800xf32>
    %gt3A_419 = arith.constant 1.000000e+00 : f32
    %gt3A_420 = vector.broadcast %gt3A_419 : f32 to vector<1x2800xf32>
    %gt3A_421 = arith.cmpf ogt, %broadcast_in_dim3A_418, %gt3A_420 : vector<1x2800xf32>
    %reduce_max3A_422 = arith.constant dense<0xFF800000> : vector<2800xf32>
    %reduce_max3A_423 = vector.multi_reduction <maximumf>, %div3A_70, %reduce_max3A_422 [0] : vector<32x2800xf32> to vector<2800xf32>
    %broadcast_in_dim3A_424 = vector.shape_cast %reduce_max3A_423 : vector<2800xf32> to vector<1x2800xf32>
    %eq3A_425 = vector.broadcast %broadcast_in_dim3A_424 : vector<1x2800xf32> to vector<32x2800xf32>
    %eq3A_426 = arith.cmpf oeq, %div3A_70, %eq3A_425 : vector<32x2800xf32>
    %jit3A_427 = arith.constant 1073741824 : i32
    %broadcast_in_dim3A_428 = vector.broadcast %jit3A_427 : i32 to vector<32x2800xi32>
    %select_n3A_429 = arith.select %eq3A_426, %iota3A, %broadcast_in_dim3A_428 : vector<32x2800xi1>, vector<32x2800xi32>
    %reduce_min3A_430 = arith.constant dense<2147483647> : vector<2800xi32>
    %reduce_min3A_431 = vector.multi_reduction <minsi>, %select_n3A_429, %reduce_min3A_430 [0] : vector<32x2800xi32> to vector<2800xi32>
    %broadcast_in_dim3A_432 = vector.shape_cast %reduce_min3A_431 : vector<2800xi32> to vector<1x2800xi32>
    %eq3A_433 = vector.broadcast %broadcast_in_dim3A_432 : vector<1x2800xi32> to vector<32x2800xi32>
    %eq3A_434 = arith.cmpi eq, %iota3A, %eq3A_433 : vector<32x2800xi32>
    %and3A_435 = vector.broadcast %gt3A_421 : vector<1x2800xi1> to vector<32x2800xi1>
    %and3A_436 = arith.andi %and3A_435, %eq3A_434 : vector<32x2800xi1>
    %not3A = arith.constant dense<true> : vector<1x2800xi1>
    %not3A_437 = arith.xori %gt3A_421, %not3A : vector<1x2800xi1>
    %and3A_438 = vector.broadcast %not3A_437 : vector<1x2800xi1> to vector<32x2800xi1>
    %and3A_439 = arith.andi %and3A_438, %and3A_410 : vector<32x2800xi1>
    %or3A = arith.ori %and3A_436, %and3A_439 : vector<32x2800xi1>
    %jit3A_440 = arith.constant 1.000000e+00 : f32
    %jit3A_441 = arith.constant 0.000000e+00 : f32
    %broadcast_in_dim3A_442 = vector.broadcast %jit3A_440 : f32 to vector<32x2800xf32>
    %broadcast_in_dim3A_443 = vector.broadcast %jit3A_441 : f32 to vector<32x2800xf32>
    %select_n3A_444 = arith.select %or3A, %broadcast_in_dim3A_442, %broadcast_in_dim3A_443 : vector<32x2800xi1>, vector<32x2800xf32>
    %reduce_sum3A_445 = arith.constant dense<0.000000e+00> : vector<2800xf32>
    %reduce_sum3A_446 = vector.multi_reduction <add>, %select_n3A_444, %reduce_sum3A_445 [0] : vector<32x2800xf32> to vector<2800xf32>
    %broadcast_in_dim3A_447 = vector.shape_cast %reduce_sum3A_446 : vector<2800xf32> to vector<1x2800xf32>
    %convert_element_type3A_448 = arith.sitofp %iota3A : vector<32x2800xi32> to vector<32x2800xf32>
    %mul3A_449 = arith.mulf %select_n3A_444, %convert_element_type3A_448 : vector<32x2800xf32>
    %reduce_sum3A_450 = arith.constant dense<0.000000e+00> : vector<2800xf32>
    %reduce_sum3A_451 = vector.multi_reduction <add>, %mul3A_449, %reduce_sum3A_450 [0] : vector<32x2800xf32> to vector<2800xf32>
    %broadcast_in_dim3A_452 = vector.shape_cast %reduce_sum3A_451 : vector<2800xf32> to vector<1x2800xf32>
    %convert_element_type3A_453 = arith.fptosi %broadcast_in_dim3A_452 : vector<1x2800xf32> to vector<1x2800xi32>
    %eq3A_454 = vector.broadcast %convert_element_type3A_453 : vector<1x2800xi32> to vector<32x2800xi32>
    %eq3A_455 = arith.cmpi eq, %iota3A, %eq3A_454 : vector<32x2800xi32>
    %jit3A_456 = arith.constant 1.000000e+00 : f32
    %jit3A_457 = arith.constant 0.000000e+00 : f32
    %broadcast_in_dim3A_458 = vector.broadcast %jit3A_456 : f32 to vector<32x2800xf32>
    %broadcast_in_dim3A_459 = vector.broadcast %jit3A_457 : f32 to vector<32x2800xf32>
    %select_n3A_460 = arith.select %eq3A_455, %broadcast_in_dim3A_458, %broadcast_in_dim3A_459 : vector<32x2800xi1>, vector<32x2800xf32>
    %get3A_461 = arith.constant 0 : index
    %get3A_462 = arith.constant 0 : index
    %get3A_463 = arith.constant 0 : index
    %get3A_464 = vector.load %arg2[%get3A_461, %get3A_462, %get3A_463] : memref<1x12x2800xf32, #tpu.memory_space<vmem>>, vector<1x1x2800xf32>
    %get3A_465 = vector.shape_cast %get3A_464 : vector<1x1x2800xf32> to vector<1x2800xf32>
    %get3A_466 = arith.constant 0 : index
    %get3A_467 = arith.constant 3 : index
    %get3A_468 = arith.constant 0 : index
    %get3A_469 = vector.load %arg2[%get3A_466, %get3A_467, %get3A_468] : memref<1x12x2800xf32, #tpu.memory_space<vmem>>, vector<1x1x2800xf32>
    %get3A_470 = vector.shape_cast %get3A_469 : vector<1x1x2800xf32> to vector<1x2800xf32>
    %get3A_471 = arith.constant 0 : index
    %get3A_472 = arith.constant 6 : index
    %get3A_473 = arith.constant 0 : index
    %get3A_474 = vector.load %arg2[%get3A_471, %get3A_472, %get3A_473] : memref<1x12x2800xf32, #tpu.memory_space<vmem>>, vector<1x1x2800xf32>
    %get3A_475 = vector.shape_cast %get3A_474 : vector<1x1x2800xf32> to vector<1x2800xf32>
    %get3A_476 = arith.constant 0 : index
    %get3A_477 = arith.constant 9 : index
    %get3A_478 = arith.constant 0 : index
    %get3A_479 = vector.load %arg2[%get3A_476, %get3A_477, %get3A_478] : memref<1x12x2800xf32, #tpu.memory_space<vmem>>, vector<1x1x2800xf32>
    %get3A_480 = vector.shape_cast %get3A_479 : vector<1x1x2800xf32> to vector<1x2800xf32>
    %min3A_481 = vector.broadcast %slice3A_5 : vector<32x1xf32> to vector<32x2800xf32>
    %min3A_482 = vector.broadcast %get3A_475 : vector<1x2800xf32> to vector<32x2800xf32>
    %min3A_483 = arith.minimumf %min3A_481, %min3A_482 : vector<32x2800xf32>
    %max3A_484 = vector.broadcast %slice3A : vector<32x1xf32> to vector<32x2800xf32>
    %max3A_485 = vector.broadcast %get3A_465 : vector<1x2800xf32> to vector<32x2800xf32>
    %max3A_486 = arith.maximumf %max3A_484, %max3A_485 : vector<32x2800xf32>
    %sub3A_487 = arith.subf %min3A_483, %max3A_486 : vector<32x2800xf32>
    %jit3A_488 = arith.constant 0.000000e+00 : f32
    %max3A_489 = vector.broadcast %jit3A_488 : f32 to vector<32x2800xf32>
    %max3A_490 = arith.maximumf %max3A_489, %sub3A_487 : vector<32x2800xf32>
    %min3A_491 = vector.broadcast %slice3A_6 : vector<32x1xf32> to vector<32x2800xf32>
    %min3A_492 = vector.broadcast %get3A_480 : vector<1x2800xf32> to vector<32x2800xf32>
    %min3A_493 = arith.minimumf %min3A_491, %min3A_492 : vector<32x2800xf32>
    %max3A_494 = vector.broadcast %slice3A_4 : vector<32x1xf32> to vector<32x2800xf32>
    %max3A_495 = vector.broadcast %get3A_470 : vector<1x2800xf32> to vector<32x2800xf32>
    %max3A_496 = arith.maximumf %max3A_494, %max3A_495 : vector<32x2800xf32>
    %sub3A_497 = arith.subf %min3A_493, %max3A_496 : vector<32x2800xf32>
    %jit3A_498 = arith.constant 0.000000e+00 : f32
    %max3A_499 = vector.broadcast %jit3A_498 : f32 to vector<32x2800xf32>
    %max3A_500 = arith.maximumf %max3A_499, %sub3A_497 : vector<32x2800xf32>
    %mul3A_501 = arith.mulf %max3A_490, %max3A_500 : vector<32x2800xf32>
    %sub3A_502 = arith.subf %get3A_475, %get3A_465 : vector<1x2800xf32>
    %sub3A_503 = arith.subf %get3A_480, %get3A_470 : vector<1x2800xf32>
    %mul3A_504 = arith.mulf %sub3A_502, %sub3A_503 : vector<1x2800xf32>
    %add3A_505 = vector.broadcast %mul3A : vector<32x1xf32> to vector<32x2800xf32>
    %add3A_506 = vector.broadcast %mul3A_504 : vector<1x2800xf32> to vector<32x2800xf32>
    %add3A_507 = arith.addf %add3A_505, %add3A_506 : vector<32x2800xf32>
    %sub3A_508 = arith.subf %add3A_507, %mul3A_501 : vector<32x2800xf32>
    %add3A_509 = arith.constant 1.000000e-07 : f32
    %add3A_510 = vector.broadcast %add3A_509 : f32 to vector<32x2800xf32>
    %add3A_511 = arith.addf %sub3A_508, %add3A_510 : vector<32x2800xf32>
    %div3A_512 = arith.divf %mul3A_501, %add3A_511 : vector<32x2800xf32>
    %mul3A_513 = arith.mulf %div3A_512, %select_n3A_444 : vector<32x2800xf32>
    %reduce_max3A_514 = arith.constant dense<0xFF800000> : vector<2800xf32>
    %reduce_max3A_515 = vector.multi_reduction <maximumf>, %mul3A_513, %reduce_max3A_514 [0] : vector<32x2800xf32> to vector<2800xf32>
    %broadcast_in_dim3A_516 = vector.shape_cast %reduce_max3A_515 : vector<2800xf32> to vector<1x2800xf32>
    %mul3A_517 = vector.broadcast %convert_element_type3A_387 : vector<32x1xf32> to vector<32x2800xf32>
    %mul3A_518 = arith.mulf %select_n3A_460, %mul3A_517 : vector<32x2800xf32>
    %reduce_sum3A_519 = arith.constant dense<0.000000e+00> : vector<2800xf32>
    %reduce_sum3A_520 = vector.multi_reduction <add>, %mul3A_518, %reduce_sum3A_519 [0] : vector<32x2800xf32> to vector<2800xf32>
    %broadcast_in_dim3A_521 = vector.shape_cast %reduce_sum3A_520 : vector<2800xf32> to vector<1x2800xf32>
    %gt3A_522 = arith.constant 0.000000e+00 : f32
    %gt3A_523 = vector.broadcast %gt3A_522 : f32 to vector<1x2800xf32>
    %gt3A_524 = arith.cmpf ogt, %broadcast_in_dim3A_447, %gt3A_523 : vector<1x2800xf32>
    %convert_element_type3A_525 = arith.fptosi %broadcast_in_dim3A_521 : vector<1x2800xf32> to vector<1x2800xi32>
    %jit3A_526 = arith.constant 80 : i32
    %broadcast_in_dim3A_527 = vector.broadcast %jit3A_526 : i32 to vector<1x2800xi32>
    %select_n3A_528 = arith.select %gt3A_524, %convert_element_type3A_525, %broadcast_in_dim3A_527 : vector<1x2800xi1>, vector<1x2800xi32>
    %dot_general3A = arith.constant dense<0.000000e+00> : vector<2800x4xf32>
    %dot_general3A_529 = tpu.matmul %select_n3A_460, %get3A_3, %dot_general3A {dimension_numbers = #tpu.dot_dimension_numbers<[0], [0], [1], [1], [0, 1, 1, 1], [], []>, transpose_lhs_hint = false} : vector<32x2800xf32>, vector<32x4xf32>, vector<2800x4xf32> -> vector<2800x4xf32>
    %mul3A_530 = vector.broadcast %broadcast_in_dim3A_516 : vector<1x2800xf32> to vector<32x2800xf32>
    %mul3A_531 = arith.mulf %select_n3A_444, %mul3A_530 : vector<32x2800xf32>
    %dot_general3A_532 = arith.constant dense<0.000000e+00> : vector<2800x80xf32>
    %dot_general3A_533 = tpu.matmul %mul3A_531, %select_n3A_386, %dot_general3A_532 {dimension_numbers = #tpu.dot_dimension_numbers<[0], [0], [1], [1], [0, 1, 1, 1], [], []>, transpose_lhs_hint = false} : vector<32x2800xf32>, vector<32x80xf32>, vector<2800x80xf32> -> vector<2800x80xf32>
    %swap3A = arith.constant 0 : index
    %swap3A_534 = arith.constant 0 : index
    %swap3A_535 = arith.constant 0 : index
    %swap3A_536 = arith.constant 0 : index
    %swap3A_537 = vector.load %arg6[%swap3A, %swap3A_534, %swap3A_535, %swap3A_536] : memref<1x3x1x2800xi32, #tpu.memory_space<vmem>>, vector<1x1x1x2800xi32>
    %swap3A_538 = vector.shape_cast %swap3A_537 : vector<1x1x1x2800xi32> to vector<1x2800xi32>
    %swap3A_539 = vector.shape_cast %select_n3A_528 : vector<1x2800xi32> to vector<1x1x1x2800xi32>
    tpu.vector_store %arg6[%swap3A, %swap3A_534, %swap3A_535, %swap3A_536], %swap3A_539 {strides = array<i32>} : memref<1x3x1x2800xi32, #tpu.memory_space<vmem>>, vector<1x1x1x2800xi32>,
    %swap3A_540 = arith.constant 0 : index
    %swap3A_541 = arith.constant 0 : index
    %swap3A_542 = arith.constant 0 : index
    %swap3A_543 = arith.constant 0 : index
    %swap3A_544 = vector.load %arg9[%swap3A_540, %swap3A_541, %swap3A_542, %swap3A_543] : memref<1x3x1x2800xi32, #tpu.memory_space<vmem>>, vector<1x1x1x2800xi32>
    %swap3A_545 = vector.shape_cast %swap3A_544 : vector<1x1x1x2800xi32> to vector<1x2800xi32>
    %swap3A_546 = vector.shape_cast %convert_element_type3A_453 : vector<1x2800xi32> to vector<1x1x1x2800xi32>
    tpu.vector_store %arg9[%swap3A_540, %swap3A_541, %swap3A_542, %swap3A_543], %swap3A_546 {strides = array<i32>} : memref<1x3x1x2800xi32, #tpu.memory_space<vmem>>, vector<1x1x1x2800xi32>,
    %swap3A_547 = arith.constant 0 : index
    %swap3A_548 = arith.constant 0 : index
    %swap3A_549 = arith.constant 0 : index
    %swap3A_550 = arith.constant 0 : index
    %swap3A_551 = vector.load %arg7[%swap3A_547, %swap3A_548, %swap3A_549, %swap3A_550] : memref<1x3x2800x4xf32, #tpu.memory_space<vmem>>, vector<1x1x2800x4xf32>
    %swap3A_552 = vector.shape_cast %swap3A_551 : vector<1x1x2800x4xf32> to vector<2800x4xf32>
    %swap3A_553 = vector.shape_cast %dot_general3A_529 : vector<2800x4xf32> to vector<1x1x2800x4xf32>
    tpu.vector_store %arg7[%swap3A_547, %swap3A_548, %swap3A_549, %swap3A_550], %swap3A_553 {strides = array<i32>} : memref<1x3x2800x4xf32, #tpu.memory_space<vmem>>, vector<1x1x2800x4xf32>,
    %swap3A_554 = arith.constant 0 : index
    %swap3A_555 = arith.constant 0 : index
    %swap3A_556 = arith.constant 0 : index
    %swap3A_557 = arith.constant 0 : index
    %swap3A_558 = vector.load %arg8[%swap3A_554, %swap3A_555, %swap3A_556, %swap3A_557] : memref<1x3x2800x80xf32, #tpu.memory_space<vmem>>, vector<1x1x2800x80xf32>
    %swap3A_559 = vector.shape_cast %swap3A_558 : vector<1x1x2800x80xf32> to vector<2800x80xf32>
    %swap3A_560 = vector.shape_cast %dot_general3A_533 : vector<2800x80xf32> to vector<1x1x2800x80xf32>
    tpu.vector_store %arg8[%swap3A_554, %swap3A_555, %swap3A_556, %swap3A_557], %swap3A_560 {strides = array<i32>} : memref<1x3x2800x80xf32, #tpu.memory_space<vmem>>, vector<1x1x2800x80xf32>,
    %gt3A_561 = vector.broadcast %add3A_375 : vector<32x1xf32> to vector<32x2800xf32>
    %gt3A_562 = arith.cmpf ogt, %div3A_129, %gt3A_561 : vector<32x2800xf32>
    %and3A_563 = arith.andi %eq3A_350, %gt3A_562 : vector<32x2800xi1>
    %sub3A_564 = vector.broadcast %get3A_82 : vector<1x2800xf32> to vector<32x2800xf32>
    %sub3A_565 = vector.broadcast %slice3A : vector<32x1xf32> to vector<32x2800xf32>
    %sub3A_566 = arith.subf %sub3A_564, %sub3A_565 : vector<32x2800xf32>
    %sub3A_567 = vector.broadcast %get3A_85 : vector<1x2800xf32> to vector<32x2800xf32>
    %sub3A_568 = vector.broadcast %slice3A_4 : vector<32x1xf32> to vector<32x2800xf32>
    %sub3A_569 = arith.subf %sub3A_567, %sub3A_568 : vector<32x2800xf32>
    %min3A_570 = arith.minimumf %sub3A_566, %sub3A_569 : vector<32x2800xf32>
    %sub3A_571 = vector.broadcast %slice3A_5 : vector<32x1xf32> to vector<32x2800xf32>
    %sub3A_572 = vector.broadcast %get3A_82 : vector<1x2800xf32> to vector<32x2800xf32>
    %sub3A_573 = arith.subf %sub3A_571, %sub3A_572 : vector<32x2800xf32>
    %sub3A_574 = vector.broadcast %slice3A_6 : vector<32x1xf32> to vector<32x2800xf32>
    %sub3A_575 = vector.broadcast %get3A_85 : vector<1x2800xf32> to vector<32x2800xf32>
    %sub3A_576 = arith.subf %sub3A_574, %sub3A_575 : vector<32x2800xf32>
    %min3A_577 = arith.minimumf %sub3A_573, %sub3A_576 : vector<32x2800xf32>
    %min3A_578 = arith.minimumf %min3A_570, %min3A_577 : vector<32x2800xf32>
    %gt3A_579 = arith.constant 9.99999971E-10 : f32
    %gt3A_580 = vector.broadcast %gt3A_579 : f32 to vector<32x2800xf32>
    %gt3A_581 = arith.cmpf ogt, %min3A_578, %gt3A_580 : vector<32x2800xf32>
    %and3A_582 = arith.andi %and3A_563, %gt3A_581 : vector<32x2800xi1>
    %and3A_583 = vector.broadcast %gt3A_378 : vector<32x1xi1> to vector<32x2800xi1>
    %and3A_584 = arith.andi %and3A_582, %and3A_583 : vector<32x2800xi1>
    %jit3A_585 = arith.constant 1.000000e+00 : f32
    %jit3A_586 = arith.constant 0.000000e+00 : f32
    %broadcast_in_dim3A_587 = vector.broadcast %jit3A_585 : f32 to vector<32x2800xf32>
    %broadcast_in_dim3A_588 = vector.broadcast %jit3A_586 : f32 to vector<32x2800xf32>
    %select_n3A_589 = arith.select %and3A_584, %broadcast_in_dim3A_587, %broadcast_in_dim3A_588 : vector<32x2800xi1>, vector<32x2800xf32>
    %reduce_sum3A_590 = arith.constant dense<0.000000e+00> : vector<2800xf32>
    %reduce_sum3A_591 = vector.multi_reduction <add>, %select_n3A_589, %reduce_sum3A_590 [0] : vector<32x2800xf32> to vector<2800xf32>
    %broadcast_in_dim3A_592 = vector.shape_cast %reduce_sum3A_591 : vector<2800xf32> to vector<1x2800xf32>
    %gt3A_593 = arith.constant 1.000000e+00 : f32
    %gt3A_594 = vector.broadcast %gt3A_593 : f32 to vector<1x2800xf32>
    %gt3A_595 = arith.cmpf ogt, %broadcast_in_dim3A_592, %gt3A_594 : vector<1x2800xf32>
    %reduce_max3A_596 = arith.constant dense<0xFF800000> : vector<2800xf32>
    %reduce_max3A_597 = vector.multi_reduction <maximumf>, %div3A_129, %reduce_max3A_596 [0] : vector<32x2800xf32> to vector<2800xf32>
    %broadcast_in_dim3A_598 = vector.shape_cast %reduce_max3A_597 : vector<2800xf32> to vector<1x2800xf32>
    %eq3A_599 = vector.broadcast %broadcast_in_dim3A_598 : vector<1x2800xf32> to vector<32x2800xf32>
    %eq3A_600 = arith.cmpf oeq, %div3A_129, %eq3A_599 : vector<32x2800xf32>
    %jit3A_601 = arith.constant 1073741824 : i32
    %broadcast_in_dim3A_602 = vector.broadcast %jit3A_601 : i32 to vector<32x2800xi32>
    %select_n3A_603 = arith.select %eq3A_600, %iota3A, %broadcast_in_dim3A_602 : vector<32x2800xi1>, vector<32x2800xi32>
    %reduce_min3A_604 = arith.constant dense<2147483647> : vector<2800xi32>
    %reduce_min3A_605 = vector.multi_reduction <minsi>, %select_n3A_603, %reduce_min3A_604 [0] : vector<32x2800xi32> to vector<2800xi32>
    %broadcast_in_dim3A_606 = vector.shape_cast %reduce_min3A_605 : vector<2800xi32> to vector<1x2800xi32>
    %eq3A_607 = vector.broadcast %broadcast_in_dim3A_606 : vector<1x2800xi32> to vector<32x2800xi32>
    %eq3A_608 = arith.cmpi eq, %iota3A, %eq3A_607 : vector<32x2800xi32>
    %and3A_609 = vector.broadcast %gt3A_595 : vector<1x2800xi1> to vector<32x2800xi1>
    %and3A_610 = arith.andi %and3A_609, %eq3A_608 : vector<32x2800xi1>
    %not3A_611 = arith.constant dense<true> : vector<1x2800xi1>
    %not3A_612 = arith.xori %gt3A_595, %not3A_611 : vector<1x2800xi1>
    %and3A_613 = vector.broadcast %not3A_612 : vector<1x2800xi1> to vector<32x2800xi1>
    %and3A_614 = arith.andi %and3A_613, %and3A_584 : vector<32x2800xi1>
    %or3A_615 = arith.ori %and3A_610, %and3A_614 : vector<32x2800xi1>
    %jit3A_616 = arith.constant 1.000000e+00 : f32
    %jit3A_617 = arith.constant 0.000000e+00 : f32
    %broadcast_in_dim3A_618 = vector.broadcast %jit3A_616 : f32 to vector<32x2800xf32>
    %broadcast_in_dim3A_619 = vector.broadcast %jit3A_617 : f32 to vector<32x2800xf32>
    %select_n3A_620 = arith.select %or3A_615, %broadcast_in_dim3A_618, %broadcast_in_dim3A_619 : vector<32x2800xi1>, vector<32x2800xf32>
    %reduce_sum3A_621 = arith.constant dense<0.000000e+00> : vector<2800xf32>
    %reduce_sum3A_622 = vector.multi_reduction <add>, %select_n3A_620, %reduce_sum3A_621 [0] : vector<32x2800xf32> to vector<2800xf32>
    %broadcast_in_dim3A_623 = vector.shape_cast %reduce_sum3A_622 : vector<2800xf32> to vector<1x2800xf32>
    %convert_element_type3A_624 = arith.sitofp %iota3A : vector<32x2800xi32> to vector<32x2800xf32>
    %mul3A_625 = arith.mulf %select_n3A_620, %convert_element_type3A_624 : vector<32x2800xf32>
    %reduce_sum3A_626 = arith.constant dense<0.000000e+00> : vector<2800xf32>
    %reduce_sum3A_627 = vector.multi_reduction <add>, %mul3A_625, %reduce_sum3A_626 [0] : vector<32x2800xf32> to vector<2800xf32>
    %broadcast_in_dim3A_628 = vector.shape_cast %reduce_sum3A_627 : vector<2800xf32> to vector<1x2800xf32>
    %convert_element_type3A_629 = arith.fptosi %broadcast_in_dim3A_628 : vector<1x2800xf32> to vector<1x2800xi32>
    %eq3A_630 = vector.broadcast %convert_element_type3A_629 : vector<1x2800xi32> to vector<32x2800xi32>
    %eq3A_631 = arith.cmpi eq, %iota3A, %eq3A_630 : vector<32x2800xi32>
    %jit3A_632 = arith.constant 1.000000e+00 : f32
    %jit3A_633 = arith.constant 0.000000e+00 : f32
    %broadcast_in_dim3A_634 = vector.broadcast %jit3A_632 : f32 to vector<32x2800xf32>
    %broadcast_in_dim3A_635 = vector.broadcast %jit3A_633 : f32 to vector<32x2800xf32>
    %select_n3A_636 = arith.select %eq3A_631, %broadcast_in_dim3A_634, %broadcast_in_dim3A_635 : vector<32x2800xi1>, vector<32x2800xf32>
    %get3A_637 = arith.constant 0 : index
    %get3A_638 = arith.constant 1 : index
    %get3A_639 = arith.constant 0 : index
    %get3A_640 = vector.load %arg2[%get3A_637, %get3A_638, %get3A_639] : memref<1x12x2800xf32, #tpu.memory_space<vmem>>, vector<1x1x2800xf32>
    %get3A_641 = vector.shape_cast %get3A_640 : vector<1x1x2800xf32> to vector<1x2800xf32>
    %get3A_642 = arith.constant 0 : index
    %get3A_643 = arith.constant 4 : index
    %get3A_644 = arith.constant 0 : index
    %get3A_645 = vector.load %arg2[%get3A_642, %get3A_643, %get3A_644] : memref<1x12x2800xf32, #tpu.memory_space<vmem>>, vector<1x1x2800xf32>
    %get3A_646 = vector.shape_cast %get3A_645 : vector<1x1x2800xf32> to vector<1x2800xf32>
    %get3A_647 = arith.constant 0 : index
    %get3A_648 = arith.constant 7 : index
    %get3A_649 = arith.constant 0 : index
    %get3A_650 = vector.load %arg2[%get3A_647, %get3A_648, %get3A_649] : memref<1x12x2800xf32, #tpu.memory_space<vmem>>, vector<1x1x2800xf32>
    %get3A_651 = vector.shape_cast %get3A_650 : vector<1x1x2800xf32> to vector<1x2800xf32>
    %get3A_652 = arith.constant 0 : index
    %get3A_653 = arith.constant 10 : index
    %get3A_654 = arith.constant 0 : index
    %get3A_655 = vector.load %arg2[%get3A_652, %get3A_653, %get3A_654] : memref<1x12x2800xf32, #tpu.memory_space<vmem>>, vector<1x1x2800xf32>
    %get3A_656 = vector.shape_cast %get3A_655 : vector<1x1x2800xf32> to vector<1x2800xf32>
    %min3A_657 = vector.broadcast %slice3A_5 : vector<32x1xf32> to vector<32x2800xf32>
    %min3A_658 = vector.broadcast %get3A_651 : vector<1x2800xf32> to vector<32x2800xf32>
    %min3A_659 = arith.minimumf %min3A_657, %min3A_658 : vector<32x2800xf32>
    %max3A_660 = vector.broadcast %slice3A : vector<32x1xf32> to vector<32x2800xf32>
    %max3A_661 = vector.broadcast %get3A_641 : vector<1x2800xf32> to vector<32x2800xf32>
    %max3A_662 = arith.maximumf %max3A_660, %max3A_661 : vector<32x2800xf32>
    %sub3A_663 = arith.subf %min3A_659, %max3A_662 : vector<32x2800xf32>
    %jit3A_664 = arith.constant 0.000000e+00 : f32
    %max3A_665 = vector.broadcast %jit3A_664 : f32 to vector<32x2800xf32>
    %max3A_666 = arith.maximumf %max3A_665, %sub3A_663 : vector<32x2800xf32>
    %min3A_667 = vector.broadcast %slice3A_6 : vector<32x1xf32> to vector<32x2800xf32>
    %min3A_668 = vector.broadcast %get3A_656 : vector<1x2800xf32> to vector<32x2800xf32>
    %min3A_669 = arith.minimumf %min3A_667, %min3A_668 : vector<32x2800xf32>
    %max3A_670 = vector.broadcast %slice3A_4 : vector<32x1xf32> to vector<32x2800xf32>
    %max3A_671 = vector.broadcast %get3A_646 : vector<1x2800xf32> to vector<32x2800xf32>
    %max3A_672 = arith.maximumf %max3A_670, %max3A_671 : vector<32x2800xf32>
    %sub3A_673 = arith.subf %min3A_669, %max3A_672 : vector<32x2800xf32>
    %jit3A_674 = arith.constant 0.000000e+00 : f32
    %max3A_675 = vector.broadcast %jit3A_674 : f32 to vector<32x2800xf32>
    %max3A_676 = arith.maximumf %max3A_675, %sub3A_673 : vector<32x2800xf32>
    %mul3A_677 = arith.mulf %max3A_666, %max3A_676 : vector<32x2800xf32>
    %sub3A_678 = arith.subf %get3A_651, %get3A_641 : vector<1x2800xf32>
    %sub3A_679 = arith.subf %get3A_656, %get3A_646 : vector<1x2800xf32>
    %mul3A_680 = arith.mulf %sub3A_678, %sub3A_679 : vector<1x2800xf32>
    %add3A_681 = vector.broadcast %mul3A : vector<32x1xf32> to vector<32x2800xf32>
    %add3A_682 = vector.broadcast %mul3A_680 : vector<1x2800xf32> to vector<32x2800xf32>
    %add3A_683 = arith.addf %add3A_681, %add3A_682 : vector<32x2800xf32>
    %sub3A_684 = arith.subf %add3A_683, %mul3A_677 : vector<32x2800xf32>
    %add3A_685 = arith.constant 1.000000e-07 : f32
    %add3A_686 = vector.broadcast %add3A_685 : f32 to vector<32x2800xf32>
    %add3A_687 = arith.addf %sub3A_684, %add3A_686 : vector<32x2800xf32>
    %div3A_688 = arith.divf %mul3A_677, %add3A_687 : vector<32x2800xf32>
    %mul3A_689 = arith.mulf %div3A_688, %select_n3A_620 : vector<32x2800xf32>
    %reduce_max3A_690 = arith.constant dense<0xFF800000> : vector<2800xf32>
    %reduce_max3A_691 = vector.multi_reduction <maximumf>, %mul3A_689, %reduce_max3A_690 [0] : vector<32x2800xf32> to vector<2800xf32>
    %broadcast_in_dim3A_692 = vector.shape_cast %reduce_max3A_691 : vector<2800xf32> to vector<1x2800xf32>
    %mul3A_693 = vector.broadcast %convert_element_type3A_387 : vector<32x1xf32> to vector<32x2800xf32>
    %mul3A_694 = arith.mulf %select_n3A_636, %mul3A_693 : vector<32x2800xf32>
    %reduce_sum3A_695 = arith.constant dense<0.000000e+00> : vector<2800xf32>
    %reduce_sum3A_696 = vector.multi_reduction <add>, %mul3A_694, %reduce_sum3A_695 [0] : vector<32x2800xf32> to vector<2800xf32>
    %broadcast_in_dim3A_697 = vector.shape_cast %reduce_sum3A_696 : vector<2800xf32> to vector<1x2800xf32>
    %gt3A_698 = arith.constant 0.000000e+00 : f32
    %gt3A_699 = vector.broadcast %gt3A_698 : f32 to vector<1x2800xf32>
    %gt3A_700 = arith.cmpf ogt, %broadcast_in_dim3A_623, %gt3A_699 : vector<1x2800xf32>
    %convert_element_type3A_701 = arith.fptosi %broadcast_in_dim3A_697 : vector<1x2800xf32> to vector<1x2800xi32>
    %jit3A_702 = arith.constant 80 : i32
    %broadcast_in_dim3A_703 = vector.broadcast %jit3A_702 : i32 to vector<1x2800xi32>
    %select_n3A_704 = arith.select %gt3A_700, %convert_element_type3A_701, %broadcast_in_dim3A_703 : vector<1x2800xi1>, vector<1x2800xi32>
    %dot_general3A_705 = arith.constant dense<0.000000e+00> : vector<2800x4xf32>
    %dot_general3A_706 = tpu.matmul %select_n3A_636, %get3A_3, %dot_general3A_705 {dimension_numbers = #tpu.dot_dimension_numbers<[0], [0], [1], [1], [0, 1, 1, 1], [], []>, transpose_lhs_hint = false} : vector<32x2800xf32>, vector<32x4xf32>, vector<2800x4xf32> -> vector<2800x4xf32>
    %mul3A_707 = vector.broadcast %broadcast_in_dim3A_692 : vector<1x2800xf32> to vector<32x2800xf32>
    %mul3A_708 = arith.mulf %select_n3A_620, %mul3A_707 : vector<32x2800xf32>
    %dot_general3A_709 = arith.constant dense<0.000000e+00> : vector<2800x80xf32>
    %dot_general3A_710 = tpu.matmul %mul3A_708, %select_n3A_386, %dot_general3A_709 {dimension_numbers = #tpu.dot_dimension_numbers<[0], [0], [1], [1], [0, 1, 1, 1], [], []>, transpose_lhs_hint = false} : vector<32x2800xf32>, vector<32x80xf32>, vector<2800x80xf32> -> vector<2800x80xf32>
    %swap3A_711 = arith.constant 0 : index
    %swap3A_712 = arith.constant 1 : index
    %swap3A_713 = arith.constant 0 : index
    %swap3A_714 = arith.constant 0 : index
    %swap3A_715 = vector.load %arg6[%swap3A_711, %swap3A_712, %swap3A_713, %swap3A_714] : memref<1x3x1x2800xi32, #tpu.memory_space<vmem>>, vector<1x1x1x2800xi32>
    %swap3A_716 = vector.shape_cast %swap3A_715 : vector<1x1x1x2800xi32> to vector<1x2800xi32>
    %swap3A_717 = vector.shape_cast %select_n3A_704 : vector<1x2800xi32> to vector<1x1x1x2800xi32>
    tpu.vector_store %arg6[%swap3A_711, %swap3A_712, %swap3A_713, %swap3A_714], %swap3A_717 {strides = array<i32>} : memref<1x3x1x2800xi32, #tpu.memory_space<vmem>>, vector<1x1x1x2800xi32>,
    %swap3A_718 = arith.constant 0 : index
    %swap3A_719 = arith.constant 1 : index
    %swap3A_720 = arith.constant 0 : index
    %swap3A_721 = arith.constant 0 : index
    %swap3A_722 = vector.load %arg9[%swap3A_718, %swap3A_719, %swap3A_720, %swap3A_721] : memref<1x3x1x2800xi32, #tpu.memory_space<vmem>>, vector<1x1x1x2800xi32>
    %swap3A_723 = vector.shape_cast %swap3A_722 : vector<1x1x1x2800xi32> to vector<1x2800xi32>
    %swap3A_724 = vector.shape_cast %convert_element_type3A_629 : vector<1x2800xi32> to vector<1x1x1x2800xi32>
    tpu.vector_store %arg9[%swap3A_718, %swap3A_719, %swap3A_720, %swap3A_721], %swap3A_724 {strides = array<i32>} : memref<1x3x1x2800xi32, #tpu.memory_space<vmem>>, vector<1x1x1x2800xi32>,
    %swap3A_725 = arith.constant 0 : index
    %swap3A_726 = arith.constant 1 : index
    %swap3A_727 = arith.constant 0 : index
    %swap3A_728 = arith.constant 0 : index
    %swap3A_729 = vector.load %arg7[%swap3A_725, %swap3A_726, %swap3A_727, %swap3A_728] : memref<1x3x2800x4xf32, #tpu.memory_space<vmem>>, vector<1x1x2800x4xf32>
    %swap3A_730 = vector.shape_cast %swap3A_729 : vector<1x1x2800x4xf32> to vector<2800x4xf32>
    %swap3A_731 = vector.shape_cast %dot_general3A_706 : vector<2800x4xf32> to vector<1x1x2800x4xf32>
    tpu.vector_store %arg7[%swap3A_725, %swap3A_726, %swap3A_727, %swap3A_728], %swap3A_731 {strides = array<i32>} : memref<1x3x2800x4xf32, #tpu.memory_space<vmem>>, vector<1x1x2800x4xf32>,
    %swap3A_732 = arith.constant 0 : index
    %swap3A_733 = arith.constant 1 : index
    %swap3A_734 = arith.constant 0 : index
    %swap3A_735 = arith.constant 0 : index
    %swap3A_736 = vector.load %arg8[%swap3A_732, %swap3A_733, %swap3A_734, %swap3A_735] : memref<1x3x2800x80xf32, #tpu.memory_space<vmem>>, vector<1x1x2800x80xf32>
    %swap3A_737 = vector.shape_cast %swap3A_736 : vector<1x1x2800x80xf32> to vector<2800x80xf32>
    %swap3A_738 = vector.shape_cast %dot_general3A_710 : vector<2800x80xf32> to vector<1x1x2800x80xf32>
    tpu.vector_store %arg8[%swap3A_732, %swap3A_733, %swap3A_734, %swap3A_735], %swap3A_738 {strides = array<i32>} : memref<1x3x2800x80xf32, #tpu.memory_space<vmem>>, vector<1x1x2800x80xf32>,
    %gt3A_739 = vector.broadcast %add3A_375 : vector<32x1xf32> to vector<32x2800xf32>
    %gt3A_740 = arith.cmpf ogt, %div3A_189, %gt3A_739 : vector<32x2800xf32>
    %and3A_741 = arith.andi %eq3A_354, %gt3A_740 : vector<32x2800xi1>
    %sub3A_742 = vector.broadcast %get3A_142 : vector<1x2800xf32> to vector<32x2800xf32>
    %sub3A_743 = vector.broadcast %slice3A : vector<32x1xf32> to vector<32x2800xf32>
    %sub3A_744 = arith.subf %sub3A_742, %sub3A_743 : vector<32x2800xf32>
    %sub3A_745 = vector.broadcast %get3A_145 : vector<1x2800xf32> to vector<32x2800xf32>
    %sub3A_746 = vector.broadcast %slice3A_4 : vector<32x1xf32> to vector<32x2800xf32>
    %sub3A_747 = arith.subf %sub3A_745, %sub3A_746 : vector<32x2800xf32>
    %min3A_748 = arith.minimumf %sub3A_744, %sub3A_747 : vector<32x2800xf32>
    %sub3A_749 = vector.broadcast %slice3A_5 : vector<32x1xf32> to vector<32x2800xf32>
    %sub3A_750 = vector.broadcast %get3A_142 : vector<1x2800xf32> to vector<32x2800xf32>
    %sub3A_751 = arith.subf %sub3A_749, %sub3A_750 : vector<32x2800xf32>
    %sub3A_752 = vector.broadcast %slice3A_6 : vector<32x1xf32> to vector<32x2800xf32>
    %sub3A_753 = vector.broadcast %get3A_145 : vector<1x2800xf32> to vector<32x2800xf32>
    %sub3A_754 = arith.subf %sub3A_752, %sub3A_753 : vector<32x2800xf32>
    %min3A_755 = arith.minimumf %sub3A_751, %sub3A_754 : vector<32x2800xf32>
    %min3A_756 = arith.minimumf %min3A_748, %min3A_755 : vector<32x2800xf32>
    %gt3A_757 = arith.constant 9.99999971E-10 : f32
    %gt3A_758 = vector.broadcast %gt3A_757 : f32 to vector<32x2800xf32>
    %gt3A_759 = arith.cmpf ogt, %min3A_756, %gt3A_758 : vector<32x2800xf32>
    %and3A_760 = arith.andi %and3A_741, %gt3A_759 : vector<32x2800xi1>
    %and3A_761 = vector.broadcast %gt3A_378 : vector<32x1xi1> to vector<32x2800xi1>
    %and3A_762 = arith.andi %and3A_760, %and3A_761 : vector<32x2800xi1>
    %jit3A_763 = arith.constant 1.000000e+00 : f32
    %jit3A_764 = arith.constant 0.000000e+00 : f32
    %broadcast_in_dim3A_765 = vector.broadcast %jit3A_763 : f32 to vector<32x2800xf32>
    %broadcast_in_dim3A_766 = vector.broadcast %jit3A_764 : f32 to vector<32x2800xf32>
    %select_n3A_767 = arith.select %and3A_762, %broadcast_in_dim3A_765, %broadcast_in_dim3A_766 : vector<32x2800xi1>, vector<32x2800xf32>
    %reduce_sum3A_768 = arith.constant dense<0.000000e+00> : vector<2800xf32>
    %reduce_sum3A_769 = vector.multi_reduction <add>, %select_n3A_767, %reduce_sum3A_768 [0] : vector<32x2800xf32> to vector<2800xf32>
    %broadcast_in_dim3A_770 = vector.shape_cast %reduce_sum3A_769 : vector<2800xf32> to vector<1x2800xf32>
    %gt3A_771 = arith.constant 1.000000e+00 : f32
    %gt3A_772 = vector.broadcast %gt3A_771 : f32 to vector<1x2800xf32>
    %gt3A_773 = arith.cmpf ogt, %broadcast_in_dim3A_770, %gt3A_772 : vector<1x2800xf32>
    %reduce_max3A_774 = arith.constant dense<0xFF800000> : vector<2800xf32>
    %reduce_max3A_775 = vector.multi_reduction <maximumf>, %div3A_189, %reduce_max3A_774 [0] : vector<32x2800xf32> to vector<2800xf32>
    %broadcast_in_dim3A_776 = vector.shape_cast %reduce_max3A_775 : vector<2800xf32> to vector<1x2800xf32>
    %eq3A_777 = vector.broadcast %broadcast_in_dim3A_776 : vector<1x2800xf32> to vector<32x2800xf32>
    %eq3A_778 = arith.cmpf oeq, %div3A_189, %eq3A_777 : vector<32x2800xf32>
    %jit3A_779 = arith.constant 1073741824 : i32
    %broadcast_in_dim3A_780 = vector.broadcast %jit3A_779 : i32 to vector<32x2800xi32>
    %select_n3A_781 = arith.select %eq3A_778, %iota3A, %broadcast_in_dim3A_780 : vector<32x2800xi1>, vector<32x2800xi32>
    %reduce_min3A_782 = arith.constant dense<2147483647> : vector<2800xi32>
    %reduce_min3A_783 = vector.multi_reduction <minsi>, %select_n3A_781, %reduce_min3A_782 [0] : vector<32x2800xi32> to vector<2800xi32>
    %broadcast_in_dim3A_784 = vector.shape_cast %reduce_min3A_783 : vector<2800xi32> to vector<1x2800xi32>
    %eq3A_785 = vector.broadcast %broadcast_in_dim3A_784 : vector<1x2800xi32> to vector<32x2800xi32>
    %eq3A_786 = arith.cmpi eq, %iota3A, %eq3A_785 : vector<32x2800xi32>
    %and3A_787 = vector.broadcast %gt3A_773 : vector<1x2800xi1> to vector<32x2800xi1>
    %and3A_788 = arith.andi %and3A_787, %eq3A_786 : vector<32x2800xi1>
    %not3A_789 = arith.constant dense<true> : vector<1x2800xi1>
    %not3A_790 = arith.xori %gt3A_773, %not3A_789 : vector<1x2800xi1>
    %and3A_791 = vector.broadcast %not3A_790 : vector<1x2800xi1> to vector<32x2800xi1>
    %and3A_792 = arith.andi %and3A_791, %and3A_762 : vector<32x2800xi1>
    %or3A_793 = arith.ori %and3A_788, %and3A_792 : vector<32x2800xi1>
    %jit3A_794 = arith.constant 1.000000e+00 : f32
    %jit3A_795 = arith.constant 0.000000e+00 : f32
    %broadcast_in_dim3A_796 = vector.broadcast %jit3A_794 : f32 to vector<32x2800xf32>
    %broadcast_in_dim3A_797 = vector.broadcast %jit3A_795 : f32 to vector<32x2800xf32>
    %select_n3A_798 = arith.select %or3A_793, %broadcast_in_dim3A_796, %broadcast_in_dim3A_797 : vector<32x2800xi1>, vector<32x2800xf32>
    %reduce_sum3A_799 = arith.constant dense<0.000000e+00> : vector<2800xf32>
    %reduce_sum3A_800 = vector.multi_reduction <add>, %select_n3A_798, %reduce_sum3A_799 [0] : vector<32x2800xf32> to vector<2800xf32>
    %broadcast_in_dim3A_801 = vector.shape_cast %reduce_sum3A_800 : vector<2800xf32> to vector<1x2800xf32>
    %convert_element_type3A_802 = arith.sitofp %iota3A : vector<32x2800xi32> to vector<32x2800xf32>
    %mul3A_803 = arith.mulf %select_n3A_798, %convert_element_type3A_802 : vector<32x2800xf32>
    %reduce_sum3A_804 = arith.constant dense<0.000000e+00> : vector<2800xf32>
    %reduce_sum3A_805 = vector.multi_reduction <add>, %mul3A_803, %reduce_sum3A_804 [0] : vector<32x2800xf32> to vector<2800xf32>
    %broadcast_in_dim3A_806 = vector.shape_cast %reduce_sum3A_805 : vector<2800xf32> to vector<1x2800xf32>
    %convert_element_type3A_807 = arith.fptosi %broadcast_in_dim3A_806 : vector<1x2800xf32> to vector<1x2800xi32>
    %eq3A_808 = vector.broadcast %convert_element_type3A_807 : vector<1x2800xi32> to vector<32x2800xi32>
    %eq3A_809 = arith.cmpi eq, %iota3A, %eq3A_808 : vector<32x2800xi32>
    %jit3A_810 = arith.constant 1.000000e+00 : f32
    %jit3A_811 = arith.constant 0.000000e+00 : f32
    %broadcast_in_dim3A_812 = vector.broadcast %jit3A_810 : f32 to vector<32x2800xf32>
    %broadcast_in_dim3A_813 = vector.broadcast %jit3A_811 : f32 to vector<32x2800xf32>
    %select_n3A_814 = arith.select %eq3A_809, %broadcast_in_dim3A_812, %broadcast_in_dim3A_813 : vector<32x2800xi1>, vector<32x2800xf32>
    %get3A_815 = arith.constant 0 : index
    %get3A_816 = arith.constant 2 : index
    %get3A_817 = arith.constant 0 : index
    %get3A_818 = vector.load %arg2[%get3A_815, %get3A_816, %get3A_817] : memref<1x12x2800xf32, #tpu.memory_space<vmem>>, vector<1x1x2800xf32>
    %get3A_819 = vector.shape_cast %get3A_818 : vector<1x1x2800xf32> to vector<1x2800xf32>
    %get3A_820 = arith.constant 0 : index
    %get3A_821 = arith.constant 5 : index
    %get3A_822 = arith.constant 0 : index
    %get3A_823 = vector.load %arg2[%get3A_820, %get3A_821, %get3A_822] : memref<1x12x2800xf32, #tpu.memory_space<vmem>>, vector<1x1x2800xf32>
    %get3A_824 = vector.shape_cast %get3A_823 : vector<1x1x2800xf32> to vector<1x2800xf32>
    %get3A_825 = arith.constant 0 : index
    %get3A_826 = arith.constant 8 : index
    %get3A_827 = arith.constant 0 : index
    %get3A_828 = vector.load %arg2[%get3A_825, %get3A_826, %get3A_827] : memref<1x12x2800xf32, #tpu.memory_space<vmem>>, vector<1x1x2800xf32>
    %get3A_829 = vector.shape_cast %get3A_828 : vector<1x1x2800xf32> to vector<1x2800xf32>
    %get3A_830 = arith.constant 0 : index
    %get3A_831 = arith.constant 11 : index
    %get3A_832 = arith.constant 0 : index
    %get3A_833 = vector.load %arg2[%get3A_830, %get3A_831, %get3A_832] : memref<1x12x2800xf32, #tpu.memory_space<vmem>>, vector<1x1x2800xf32>
    %get3A_834 = vector.shape_cast %get3A_833 : vector<1x1x2800xf32> to vector<1x2800xf32>
    %min3A_835 = vector.broadcast %slice3A_5 : vector<32x1xf32> to vector<32x2800xf32>
    %min3A_836 = vector.broadcast %get3A_829 : vector<1x2800xf32> to vector<32x2800xf32>
    %min3A_837 = arith.minimumf %min3A_835, %min3A_836 : vector<32x2800xf32>
    %max3A_838 = vector.broadcast %slice3A : vector<32x1xf32> to vector<32x2800xf32>
    %max3A_839 = vector.broadcast %get3A_819 : vector<1x2800xf32> to vector<32x2800xf32>
    %max3A_840 = arith.maximumf %max3A_838, %max3A_839 : vector<32x2800xf32>
    %sub3A_841 = arith.subf %min3A_837, %max3A_840 : vector<32x2800xf32>
    %jit3A_842 = arith.constant 0.000000e+00 : f32
    %max3A_843 = vector.broadcast %jit3A_842 : f32 to vector<32x2800xf32>
    %max3A_844 = arith.maximumf %max3A_843, %sub3A_841 : vector<32x2800xf32>
    %min3A_845 = vector.broadcast %slice3A_6 : vector<32x1xf32> to vector<32x2800xf32>
    %min3A_846 = vector.broadcast %get3A_834 : vector<1x2800xf32> to vector<32x2800xf32>
    %min3A_847 = arith.minimumf %min3A_845, %min3A_846 : vector<32x2800xf32>
    %max3A_848 = vector.broadcast %slice3A_4 : vector<32x1xf32> to vector<32x2800xf32>
    %max3A_849 = vector.broadcast %get3A_824 : vector<1x2800xf32> to vector<32x2800xf32>
    %max3A_850 = arith.maximumf %max3A_848, %max3A_849 : vector<32x2800xf32>
    %sub3A_851 = arith.subf %min3A_847, %max3A_850 : vector<32x2800xf32>
    %jit3A_852 = arith.constant 0.000000e+00 : f32
    %max3A_853 = vector.broadcast %jit3A_852 : f32 to vector<32x2800xf32>
    %max3A_854 = arith.maximumf %max3A_853, %sub3A_851 : vector<32x2800xf32>
    %mul3A_855 = arith.mulf %max3A_844, %max3A_854 : vector<32x2800xf32>
    %sub3A_856 = arith.subf %get3A_829, %get3A_819 : vector<1x2800xf32>
    %sub3A_857 = arith.subf %get3A_834, %get3A_824 : vector<1x2800xf32>
    %mul3A_858 = arith.mulf %sub3A_856, %sub3A_857 : vector<1x2800xf32>
    %add3A_859 = vector.broadcast %mul3A : vector<32x1xf32> to vector<32x2800xf32>
    %add3A_860 = vector.broadcast %mul3A_858 : vector<1x2800xf32> to vector<32x2800xf32>
    %add3A_861 = arith.addf %add3A_859, %add3A_860 : vector<32x2800xf32>
    %sub3A_862 = arith.subf %add3A_861, %mul3A_855 : vector<32x2800xf32>
    %add3A_863 = arith.constant 1.000000e-07 : f32
    %add3A_864 = vector.broadcast %add3A_863 : f32 to vector<32x2800xf32>
    %add3A_865 = arith.addf %sub3A_862, %add3A_864 : vector<32x2800xf32>
    %div3A_866 = arith.divf %mul3A_855, %add3A_865 : vector<32x2800xf32>
    %mul3A_867 = arith.mulf %div3A_866, %select_n3A_798 : vector<32x2800xf32>
    %reduce_max3A_868 = arith.constant dense<0xFF800000> : vector<2800xf32>
    %reduce_max3A_869 = vector.multi_reduction <maximumf>, %mul3A_867, %reduce_max3A_868 [0] : vector<32x2800xf32> to vector<2800xf32>
    %broadcast_in_dim3A_870 = vector.shape_cast %reduce_max3A_869 : vector<2800xf32> to vector<1x2800xf32>
    %mul3A_871 = vector.broadcast %convert_element_type3A_387 : vector<32x1xf32> to vector<32x2800xf32>
    %mul3A_872 = arith.mulf %select_n3A_814, %mul3A_871 : vector<32x2800xf32>
    %reduce_sum3A_873 = arith.constant dense<0.000000e+00> : vector<2800xf32>
    %reduce_sum3A_874 = vector.multi_reduction <add>, %mul3A_872, %reduce_sum3A_873 [0] : vector<32x2800xf32> to vector<2800xf32>
    %broadcast_in_dim3A_875 = vector.shape_cast %reduce_sum3A_874 : vector<2800xf32> to vector<1x2800xf32>
    %gt3A_876 = arith.constant 0.000000e+00 : f32
    %gt3A_877 = vector.broadcast %gt3A_876 : f32 to vector<1x2800xf32>
    %gt3A_878 = arith.cmpf ogt, %broadcast_in_dim3A_801, %gt3A_877 : vector<1x2800xf32>
    %convert_element_type3A_879 = arith.fptosi %broadcast_in_dim3A_875 : vector<1x2800xf32> to vector<1x2800xi32>
    %jit3A_880 = arith.constant 80 : i32
    %broadcast_in_dim3A_881 = vector.broadcast %jit3A_880 : i32 to vector<1x2800xi32>
    %select_n3A_882 = arith.select %gt3A_878, %convert_element_type3A_879, %broadcast_in_dim3A_881 : vector<1x2800xi1>, vector<1x2800xi32>
    %dot_general3A_883 = arith.constant dense<0.000000e+00> : vector<2800x4xf32>
    %dot_general3A_884 = tpu.matmul %select_n3A_814, %get3A_3, %dot_general3A_883 {dimension_numbers = #tpu.dot_dimension_numbers<[0], [0], [1], [1], [0, 1, 1, 1], [], []>, transpose_lhs_hint = false} : vector<32x2800xf32>, vector<32x4xf32>, vector<2800x4xf32> -> vector<2800x4xf32>
    %mul3A_885 = vector.broadcast %broadcast_in_dim3A_870 : vector<1x2800xf32> to vector<32x2800xf32>
    %mul3A_886 = arith.mulf %select_n3A_798, %mul3A_885 : vector<32x2800xf32>
    %dot_general3A_887 = arith.constant dense<0.000000e+00> : vector<2800x80xf32>
    %dot_general3A_888 = tpu.matmul %mul3A_886, %select_n3A_386, %dot_general3A_887 {dimension_numbers = #tpu.dot_dimension_numbers<[0], [0], [1], [1], [0, 1, 1, 1], [], []>, transpose_lhs_hint = false} : vector<32x2800xf32>, vector<32x80xf32>, vector<2800x80xf32> -> vector<2800x80xf32>
    %swap3A_889 = arith.constant 0 : index
    %swap3A_890 = arith.constant 2 : index
    %swap3A_891 = arith.constant 0 : index
    %swap3A_892 = arith.constant 0 : index
    %swap3A_893 = vector.load %arg6[%swap3A_889, %swap3A_890, %swap3A_891, %swap3A_892] : memref<1x3x1x2800xi32, #tpu.memory_space<vmem>>, vector<1x1x1x2800xi32>
    %swap3A_894 = vector.shape_cast %swap3A_893 : vector<1x1x1x2800xi32> to vector<1x2800xi32>
    %swap3A_895 = vector.shape_cast %select_n3A_882 : vector<1x2800xi32> to vector<1x1x1x2800xi32>
    tpu.vector_store %arg6[%swap3A_889, %swap3A_890, %swap3A_891, %swap3A_892], %swap3A_895 {strides = array<i32>} : memref<1x3x1x2800xi32, #tpu.memory_space<vmem>>, vector<1x1x1x2800xi32>,
    %swap3A_896 = arith.constant 0 : index
    %swap3A_897 = arith.constant 2 : index
    %swap3A_898 = arith.constant 0 : index
    %swap3A_899 = arith.constant 0 : index
    %swap3A_900 = vector.load %arg9[%swap3A_896, %swap3A_897, %swap3A_898, %swap3A_899] : memref<1x3x1x2800xi32, #tpu.memory_space<vmem>>, vector<1x1x1x2800xi32>
    %swap3A_901 = vector.shape_cast %swap3A_900 : vector<1x1x1x2800xi32> to vector<1x2800xi32>
    %swap3A_902 = vector.shape_cast %convert_element_type3A_807 : vector<1x2800xi32> to vector<1x1x1x2800xi32>
    tpu.vector_store %arg9[%swap3A_896, %swap3A_897, %swap3A_898, %swap3A_899], %swap3A_902 {strides = array<i32>} : memref<1x3x1x2800xi32, #tpu.memory_space<vmem>>, vector<1x1x1x2800xi32>,
    %swap3A_903 = arith.constant 0 : index
    %swap3A_904 = arith.constant 2 : index
    %swap3A_905 = arith.constant 0 : index
    %swap3A_906 = arith.constant 0 : index
    %swap3A_907 = vector.load %arg7[%swap3A_903, %swap3A_904, %swap3A_905, %swap3A_906] : memref<1x3x2800x4xf32, #tpu.memory_space<vmem>>, vector<1x1x2800x4xf32>
    %swap3A_908 = vector.shape_cast %swap3A_907 : vector<1x1x2800x4xf32> to vector<2800x4xf32>
    %swap3A_909 = vector.shape_cast %dot_general3A_884 : vector<2800x4xf32> to vector<1x1x2800x4xf32>
    tpu.vector_store %arg7[%swap3A_903, %swap3A_904, %swap3A_905, %swap3A_906], %swap3A_909 {strides = array<i32>} : memref<1x3x2800x4xf32, #tpu.memory_space<vmem>>, vector<1x1x2800x4xf32>,
    %swap3A_910 = arith.constant 0 : index
    %swap3A_911 = arith.constant 2 : index
    %swap3A_912 = arith.constant 0 : index
    %swap3A_913 = arith.constant 0 : index
    %swap3A_914 = vector.load %arg8[%swap3A_910, %swap3A_911, %swap3A_912, %swap3A_913] : memref<1x3x2800x80xf32, #tpu.memory_space<vmem>>, vector<1x1x2800x80xf32>
    %swap3A_915 = vector.shape_cast %swap3A_914 : vector<1x1x2800x80xf32> to vector<2800x80xf32>
    %swap3A_916 = vector.shape_cast %dot_general3A_888 : vector<2800x80xf32> to vector<1x1x2800x80xf32>
    tpu.vector_store %arg8[%swap3A_910, %swap3A_911, %swap3A_912, %swap3A_913], %swap3A_916 {strides = array<i32>} : memref<1x3x2800x80xf32, #tpu.memory_space<vmem>>, vector<1x1x2800x80xf32>,
    return
  }
  func.func @transform_0(%arg0: i32) -> (i32, i32) {
    %c0_i32 = arith.constant 0 : i32
    %c0_i32_0 = arith.constant 0 : i32
    %c0_i32_1 = arith.constant 0 : i32
    return %c0_i32, %c0_i32_0 : i32, i32
  }
  func.func @transform_1(%arg0: i32) -> (i32, i32, i32) {
    %c0_i32 = arith.constant 0 : i32
    %c0_i32_0 = arith.constant 0 : i32
    %c0_i32_1 = arith.constant 0 : i32
    return %arg0, %c0_i32, %c0_i32_0 : i32, i32, i32
  }
  func.func @transform_2(%arg0: i32) -> (i32, i32, i32) {
    %c0_i32 = arith.constant 0 : i32
    %c0_i32_0 = arith.constant 0 : i32
    %c0_i32_1 = arith.constant 0 : i32
    return %arg0, %c0_i32, %c0_i32_0 : i32, i32, i32
  }
  func.func @transform_3(%arg0: i32) -> (i32, i32, i32) {
    %c0_i32 = arith.constant 0 : i32
    %c0_i32_0 = arith.constant 0 : i32
    %c0_i32_1 = arith.constant 0 : i32
    return %arg0, %c0_i32, %c0_i32_0 : i32, i32, i32
  }
  func.func @transform_4(%arg0: i32) -> (i32, i32, i32) {
    %c0_i32 = arith.constant 0 : i32
    %c0_i32_0 = arith.constant 0 : i32
    %c0_i32_1 = arith.constant 0 : i32
    return %arg0, %c0_i32, %c0_i32_0 : i32, i32, i32
  }
  func.func @transform_5(%arg0: i32) -> (i32, i32, i32, i32) {
    %c0_i32 = arith.constant 0 : i32
    %c0_i32_0 = arith.constant 0 : i32
    %c0_i32_1 = arith.constant 0 : i32
    %c0_i32_2 = arith.constant 0 : i32
    return %arg0, %c0_i32, %c0_i32_0, %c0_i32_1 : i32, i32, i32, i32
  }
  func.func @transform_6(%arg0: i32) -> (i32, i32, i32, i32) {
    %c0_i32 = arith.constant 0 : i32
    %c0_i32_0 = arith.constant 0 : i32
    %c0_i32_1 = arith.constant 0 : i32
    %c0_i32_2 = arith.constant 0 : i32
    return %arg0, %c0_i32, %c0_i32_0, %c0_i32_1 : i32, i32, i32, i32
  }
  func.func @transform_7(%arg0: i32) -> (i32, i32, i32, i32) {
    %c0_i32 = arith.constant 0 : i32
    %c0_i32_0 = arith.constant 0 : i32
    %c0_i32_1 = arith.constant 0 : i32
    %c0_i32_2 = arith.constant 0 : i32
    return %arg0, %c0_i32, %c0_i32_0, %c0_i32_1 : i32, i32, i32, i32
  }
  func.func @transform_8(%arg0: i32) -> (i32, i32, i32, i32) {
    %c0_i32 = arith.constant 0 : i32
    %c0_i32_0 = arith.constant 0 : i32
    %c0_i32_1 = arith.constant 0 : i32
    %c0_i32_2 = arith.constant 0 : i32
    return %arg0, %c0_i32, %c0_i32_0, %c0_i32_1 : i32, i32, i32, i32
  }
}

</mosaic_0001>

<sc_bundles>
// kernel: sparse-core-data-format-call.cloned.1.call-start
scs
called_computation_lowered:
.L_overlay_start_0:
0x0: {  	s2 =	sld [smem:$0x3FD9]  }
0x1: {  	s3 =	sld [smem:$0x3FFE];
	_ =	sdelay $0x1  }
0x2: {  	s1 =	srdreg.scid  }
0x3: {  	s0 =	sand.u32 $0x1, s1  }
0x4: {  	s15 =	sshll.u32 s0, $0xA;
	s2 =	sadd.s32 s3, s2  }
0x5: {  	s2 =	sadd.s32 s2, s15  }
0x6: {  	[smem:$0x3FC3] =	sst s2  }
0x7: {  	_ = 	snop  }
0x8: {  	s2 =	sld [smem:$0x3FD0];
	_ =	sdelay $0x2  }
0x9: {  	s16 =	simm.s32 $0xA;
	s4 =	simm.s32 $0x10  }
0xa: {  	[smem:s4], [sflag:s16] =	dma.local [hbm:s2], $0x1  }
0xb: {  	_ =	swait.eq [sflag:s16], $0x1  }
0xc: {  	[sflag:s16] =	ssyncset.done $0x0  }
0xd: {  	[sflag:s16] =	ssyncadd.s32 $0xFFFFFFFF  }
0xe: {  	s17 =	sld [smem:$0x12];
	(tm) =	ssettm $0x1  }
0xf: {  	s18 =	sld [smem:$0x3FFB];
	_ =	sdelay $0x3  }
0x10: {  	_ =	strace s18  }
0x11: {  	s3 =	sld [smem:$0x3FFC];
	_ =	sdelay $0x3  }
0x12: {  	_ =	strace s3  }
0x13: {  	s3 =	sld [smem:$0x3FFD];
	_ =	sdelay $0x3  }
0x14: {  	_ =	strace s3  }
0x15: {  	_ =	strace $0x8FFFFFFF  }
0x16: {  	s19 =	sld [smem:$0x3FDB];
	_ =	sdelay $0x1  }
0x17: {  	s20 =	simm.s32 $_scs_section_size  }
0x18: {  	s5 =	simm.s32 $_size__tile_overlayer_lowered;
	s6 =	simm.s32 $_tile_overlayer_lowered  }
0x19: {  	s23 =	simm.s32 $0x1BFF;
	s22 =	sshll.u32 s6, $0x1;
	s3 =	sadd.s32 s20, s19  }
0x1a: {  	s7 =	simm.s32 $0x0;
	s21 =	sshll.u32 s5, $0x1;
	s5 =	sadd.s32 s22, s3  }
0x1b: {  	[timem:s7], [sflag:s23] =	dma.local [hbm:s5], s21  }
0x1c: {  	_ =	swait.ge [sflag:s23], s21  }
0x1d: {  	s4 =	ssub.s32 $0x0, s21;
	[sflag:s23] =	ssyncset.done $0x0  }
0x1e: {  	[sflag:s23] =	ssyncadd.s32 s4;
	_ =	sdelay $0x1  }
0x1f: {  	s24 =	simm.s32 $0x1B8B  }
0x20: {  	_ =	swait.ge [sflag:s24], $0x1  }
0x21: {  	[sflag:s24] =	ssyncset.done $0x0  }
0x22: {  	s26 =	simm.s32 $0x1B8E;
	s25 =	sld [smem:$0x3FFE];
	[sflag:s24] =	ssyncadd.s32 $0xFFFFFFFF  }
0x23: {  	s27 =	simm.s32 $execute0_lowered;
	[smem:$0x3FD2] =	sst s26  }
0x24: {  	s5 =	sshll.u32 s27, $0x1;
	_ =	strace $0x80000046;
	[dreg:$0x1] =	wrdreg $0xFFFFFFFF  }
0x25: {  	s28 =	simm.s32 $_size_execute0_lowered;
	s3 =	sadd.s32 s3, s5;
	[dreg:$0x0] =	wrdreg $0x0  }
0x26: {  	s5 =	sshll.u32 s28, $0x1;
	[dreg:$0x2] =	wrdreg s3  }
0x27: {  	[dreg:$0x3] =	wrdreg s5  }
0x28: {  	[dreg:$0x4] =	wrdreg $0xC0  }
0x29: {  	_ =	task [dreg:s7], $0x5FFFF  }
0x2a: {  	[dreg:$0x1] =	wrdreg $0xFFFFFFFF  }
0x2b: {  	[dreg:$0x0] =	wrdreg $0x60  }
0x2c: {  	[dreg:$0x2] =	wrdreg s25  }
0x2d: {  	[dreg:$0x3] =	wrdreg s17  }
0x2e: {  	[dreg:$0x4] =	wrdreg $0x9  }
0x2f: {  	_ =	task.clear_ibuf [dreg:s7], $0x5FFFF;
	_ =	strace $0x90000046  }
0x30: {  	s29 =	simm.s32 $0x9;
	_ =	strace $0x80000048  }
0x31: {  	_ =	swait.ge [sflag:s29], $0x1  }
0x32: {  	[sflag:s29] =	ssyncadd.s32 $0xFFFFFFFF  }
0x33: {  	_ =	strace $0x90000048  }
0x34: {  	_ =	sfence  }
0x35: {  	s30 =	sld [smem:$0x0];
	_ =	sdelay $0x2  }
0x36: {  	s31 =	sshll.u32 s1, $0xD;
	s1 =	sshrl.u32 s1, $0x2  }
0x37: {  	s3 =	sand.u32 $0x4000, s31;
	s1 =	sadd.s32 s1, s30  }
0x38: {  	s0 =	sor.u32 s3, s0;
	s1 =	sshll.u32 s1, $0x11  }
0x39: {  	s0 =	sor.u32 s1, s0  }
0x3a: {  	s0 =	sadd.s32 $0x8F2B, s0  }
0x3b: {  	[sflag:s0] =	ssyncadd.remote.s32 $0x1  }
0x3c: {  	_ =	sfence.sel $0xFFFF  }
0x3d: {  	[dreg:$0x0] =	wrdreg $0xFFFFFFFF;
	(pc) =	sbr.abs _section_cstart, $3  }
0x3e: {  	[dreg:$0x1] =	wrdreg $0xFFFFFFFF  }
0x3f: {  	_ =	task.clear_ibuf [dreg:s7], $0x2FFFF;
	_ =	strace $0x9FFFFFFF  }
0x40: {  	(tm) =	ssettm $0x7FFFFFFF  }
0x41: {  	_ =	shalt  }
tec
execute0_lowered:
.L_overlay_start_1:
0x0: {  	(tag) =	ssettag $0x1  }
0x1: {  	s1 =	rddreg [dreg:$0x0];
	_ =	strace $0x80000047  }
0x2: {  	s5 =	srdreg.scid;
	s4 =	simm.s32 $0x1;
	s6 =	simm.s32 $0x2  }
.Ltmp0:
0x3: {  	s12 =	simm.s32 $0x0;
	s13 =	simm.s32 $0x0;
	(pc) =	sbr.rel .LBB1_1-.Ltmp0, $4  }
0x4: {  	s8 =	simm.s32 $0x0;
	s10 =	simm.s32 $0x0;
	s11 =	stileid.u32  }
0x5: {  	s7 =	simm.s32 $0x0;
	s21 =	simm.s32 $0x0;
	s5 =	sshll.u32 s5, $0x7  }
0x6: {  	s3 =	sadd.s32 $0x20D000, s1;
	[sflag:s4] =	ssyncpa.u1 $0x0;
	s5 =	sand.u32 $0x80, s5  }
0x7: {  	s1 =	stileid.u32;
	[sflag:s6] =	ssyncpa.u1 $0x0;
	s9 =	smov.u32 s5  }
.LBB1_7:
0x8: {  	p0 =	sgt.s32 s8, $0x2080;
	s0 =	smov.u32 s8;
	s2 =	sshll.u32 s8, $0x3  }
0x9: {  	s6 =	sand.u32 $0x7F, s8;
	s0 =	simm.s32 @!p0 $0x2080;
	s2 =	sand.u32 $0xFFFFFC00, s2  }
0xa: {  	s0 =	sadd.s32 s15, s0;
	s6 =	sor.u32 s6, s2;
	s2 =	smulhi.u32 $0x3E0F83E1, s2  }
0xb: {  	s25 =	smul.u32 $0x14A00, s10;
	s15 =	sadd.s32 $0xFFFFDF80, s0;
	s0 =	ssub.s32 $0x2100, s0  }
0xc: {  	s22 =	smulhi.u32 $0x3E0F83E1, s6;
	p0 =	sgt.s32 s15, $0x7F;
	s2 =	sshrl.u32 s2, $0xB  }
0xd: {  	s0 =	simm.s32 @p0 $0x0;
	s24 =	smulhi.u32 $0x3333334, s2  }
0xe: {  	s0 =	smul.u32 s0, s14  }
0xf: {  	s23 =	sshrl.u32 s22, $0xB;
	s15 =	smul.u32 $0x50, s24  }
0x10: {  	s14 =	smul.u32 $0x2100, s23  }
0x11: {  	s26 =	rddreg [dreg:$0x1];
	s29 =	sor.u32 $0x8000, s16;
	s2 =	ssub.s32 s2, s15  }
0x12: {  	s31 =	simm.s32 $0x10800;
	s6 =	ssub.s32 s6, s14;
	s2 =	smul.u32 $0x420, s2  }
0x13: {  	s0 =	smul.u32 $0x50, s0;
	s14 =	sadd.s32 s26, s25;
	s27 =	sand.u32 $0x7, s6  }
0x14: {  	s6 =	sshrl.u32 s6, $0x3;
	s28 =	sshll.u32 s27, $0x12;
	s2 =	sadd.s32 s2, s14  }
0x15: {  	s0 =	sand.u32 $0x3FFFFFF0, s0;
	s30 =	sor.u32 $0x400, s28;
	s2 =	sadd.s32 s6, s2  }
0x16: {  	[hbm4b:s2+s30] =	stream.strided.scatter [tilespmem:s29], [sflag:$0x2], s0, s31, s30, $0x20;
	[tilespmem:$0x10100] =	vst v63  }
.LBB1_8:
0x17: {  	p0 =	slt.u32 s7, $0x2  }
0x18: {  	s2 =	smov.u32 s13;
	s6 =	smov.u32 s12;
	p1 =	sgt.s32 @!p0 s13, $0xF  }
0x19: {  	s0 =	sshra.s32 @!p0 s13, $0x1F;
	p2 =	sgt.s32 @!p0 s12, $0x2080;
	p1 =	por !p1, p0  }
0x1a: {  	s0 =	sand.u32 @!p0 s0, s13;
	p2 =	por !p2, p0;
	s13 =	sshra.s32 @!p0 s12, $0x1F  }
0x1b: {  	s2 =	simm.s32 @p1 $0xF;
	s6 =	simm.s32 @p2 $0x2080;
	s12 =	sand.u32 @!p0 s13, s12  }
0x1c: {  	s0 =	ssub.s32 @!p0 s2, s0;
	s2 =	ssub.s32 @!p0 s6, s12  }
0x1d: {  	s6 =	sadd.s32 @!p0 $0xFFFFFFF1, s0;
	s0 =	ssub.s32 @!p0 $0x10, s0;
	s12 =	sadd.s32 @!p0 $0xFFFFDF80, s2  }
0x1e: {  	p1 =	sgt.s32 @!p0 s6, $0x0;
	s0 =	smul.u32 @!p0 $0x50, s0;
	p2 =	sgt.s32 @!p0 s12, $0x7F  }
0x1f: {  	s2 =	ssub.s32 @!p0 $0x2100, s2;
	p1 =	por !p1, p0;
	p2 =	por !p2, p0  }
0x20: {  	s0 =	simm.s32 @!p1 $0x0;
	s2 =	simm.s32 @!p2 $0x0  }
0x21: {  	s0 =	smul.u32 @!p0 s2, s0;
	s2 =	sadd.s32 $0x100, s9  }
0x22: {  	s14 =	smov.u32 s11;
	s12 =	sadd.s32 $0x10, s11;
	p1 =	sgt.s32 s2, $0x20CF  }
0x23: {  	s14 =	smov.u32 @p1 s12  }
0x24: {  	s7 =	sadd.s32 $0x1, s7;
	s2 =	smov.u32 @p1 s5;
	p1 =	sgt.s32 s14, $0xF  }
0x25: {  	s14 =	smov.u32 @p1 s1;
	p1 =	sne.s32 s7, $0x23  }
.Ltmp1:
0x26: {  	_ = 	snop;
	(pc) =	sbr.rel @!p1 .LBB1_9-.Ltmp1, $4  }
0x27: {  	s13 =	smov.u32 s10;
	s6 =	simm.s32 @!p0 $0x2;
	s0 =	sand.u32 @!p0 $0x3FFFFFF0, s0  }
0x28: {  	s10 =	smov.u32 s11;
	s12 =	smov.u32 s8;
	_ =	swait.ge @!p0 [sflag:s6], s0  }
0x29: {  	s8 =	smov.u32 s9;
	s0 =	ssub.s32 @!p0 $0x0, s0;
	[sflag:s6] =	ssyncset.done @!p0 $0x0  }
0x2a: {  	s9 =	smov.u32 s2;
	[sflag:s6] =	ssyncadd.s32 @!p0 s0;
	s11 =	smov.u32 s14  }
.LBB1_1:
0x2b: {  	p0 =	sgt.u32 s7, $0x20;
	s15 =	smov.u32 s11  }
0x2c: {  	s18 =	smov.u32 s9;
	p1 =	sgt.s32 @!p0 s11, $0xF;
	s14 =	sand.u32 @!p0 $0x1FFFFFF, s9  }
0x2d: {  	s17 =	sshra.s32 @!p0 s11, $0x1F;
	s19 =	sshra.s32 @!p0 s9, $0x1F;
	p1 =	por !p1, p0  }
0x2e: {  	s16 =	smulhi.u32 @!p0 $0x1F35269, s14;
	s15 =	simm.s32 @p1 $0xF;
	p1 =	sgt.s32 @!p0 s9, $0x2050  }
0x2f: {  	s17 =	sand.u32 @!p0 s17, s11;
	s19 =	sand.u32 @!p0 s19, s9;
	p1 =	por !p1, p0  }
0x30: {  	s15 =	ssub.s32 @!p0 s15, s17;
	s16 =	sshrl.u32 @!p0 s16, $0x6;
	s18 =	simm.s32 @p1 $0x2050  }
0x31: {  	s15 =	sadd.s32 @!p0 $0xFFFFFFF1, s15;
	s16 =	smul.u32 @!p0 $0x20D0, s16;
	s17 =	ssub.s32 @!p0 s18, s19  }
0x32: {  	p1 =	sgt.s32 @!p0 s15, $0x0;
	s15 =	sshll.u32 @!p0 s15, $0x7;
	s18 =	sadd.s32 @!p0 $0xFFFFDFB0, s17  }
0x33: {  	s19 =	smul.u32 @!p0 $0x20D00, s11;
	s17 =	ssub.s32 @!p0 $0x20D0, s17;
	p2 =	sgt.s32 @!p0 s18, $0x7F  }
0x34: {  	s15 =	ssub.s32 @!p0 $0x80, s15;
	p1 =	por !p1, p0;
	p2 =	por !p2, p0  }
0x35: {  	s18 =	sxor.u32 @!p0 $0xFFFFFFFF, s7;
	s15 =	simm.s32 @!p1 $0x0;
	s17 =	simm.s32 @!p2 $0x0  }
0x36: {  	s14 =	ssub.s32 @!p0 s14, s16;
	s16 =	sshll.u32 @!p0 s18, $0xE;
	s15 =	smul.u32 @!p0 s17, s15  }
0x37: {  	s14 =	sshll.u32 @!p0 s14, $0x4;
	s16 =	sand.u32 @!p0 $0x4000, s16;
	s17 =	sadd.s32 @!p0 s3, s19  }
0x38: {  	s14 =	sadd.s32 @!p0 s14, s17;
	s17 =	simm.s32 @!p0 $0x0;
	s15 =	sand.u32 @!p0 $0x3FFFFF80, s15  }
0x39: {  	[tilespmem:s16], [sflag:$0x1] =	stream.linear.gather @!p0 [hbm4b:s14+s17], s15, $0x38;
	[tilespmem:$0x10100] =	vst v63  }
0x3a: {  	p0 =	seq.s32 s7, $0x0  }
0x3b: {  	p1 =	seq.s32 @!p0 s7, $0x22  }
0x3c: {  	p0 =	por p0, p1  }
.Ltmp2:
0x3d: {  	_ = 	snop;
	(pc) =	sbr.rel @p0 .LBB1_8-.Ltmp2, $1  }
0x3e: {  	_ =	sdelay $0x3  }
0x3f: {  	p0 =	sgt.s32 s10, $0xF  }
0x40: {  	s14 =	smov.u32 s10;
	s15 =	sshra.s32 s10, $0x1F;
	s16 =	ssub.s32 $0x0, s8  }
0x41: {  	s17 =	sshra.s32 s8, $0x1F;
	s14 =	simm.s32 @!p0 $0xF;
	s15 =	sand.u32 s15, s10  }
0x42: {  	s18 =	smov.u32 s8;
	p0 =	sgt.s32 s8, $0x2050;
	s14 =	ssub.s32 s14, s15  }
0x43: {  	s15 =	sand.u32 s16, s17;
	s18 =	simm.s32 @!p0 $0x2050;
	s30 =	sadd.s32 $0xFFFFFFF1, s14  }
0x44: {  	s17 =	sadd.s32 s15, s18;
	s14 =	ssub.s32 $0x10, s14;
	p0 =	sgt.s32 s30, $0x0  }
0x45: {  	s31 =	sadd.s32 $0xFFFFDFB0, s17;
	s16 =	ssub.s32 $0x20D0, s17;
	s17 =	sadd.s32 $0x1, s10  }
0x46: {  	s18 =	sadd.s32 $0x80, s8;
	s14 =	simm.s32 @p0 $0x0;
	p0 =	slt.s32 s17, $0x10  }
0x47: {  	s17 =	simm.s32 @!p0 $0x10;
	p0 =	slt.s32 s18, $0x20D0  }
0x48: {  	p1 =	sgt.s32 s31, $0x7F;
	s17 =	ssub.s32 s17, s10;
	s18 =	simm.s32 @!p0 $0x20D0  }
0x49: {  	s16 =	simm.s32 @p1 $0x0;
	s18 =	ssub.s32 s18, s8;
	p0 =	slt.s32 s17, $0x1  }
0x4a: {  	s16 =	smul.u32 s16, s14;
	p1 =	slt.s32 @!p0 s18, $0x1  }
0x4b: {  	p1 =	por p0, p1  }
.Ltmp3:
0x4c: {  	s16 =	sshll.u32 s16, $0x7;
	(pc) =	sbr.rel @p1 .LBB1_7-.Ltmp3, $4  }
0x4d: {  	s16 =	sand.u32 $0x3FFFFF80, s16  }
0x4e: {  	_ =	swait.ge [sflag:s4], s16  }
0x4f: {  	s19 =	sand.u32 $0x1, s7;
	s16 =	ssub.s32 $0x0, s16;
	[sflag:s4] =	ssyncset.done $0x0  }
0x50: {  	[sflag:s4] =	ssyncadd.s32 s16;
	s16 =	smul.u32 $0x4080, s19  }
0x51: {  	_ = 	snop  }
0x52: {  	s19 =	sshll.u32 @!p0 s19, $0xE;
	s22 =	simm.s32 $0x0;
	s20 =	sor.u32 @!p0 $0x8000, s16  }
.LBB1_4:
0x53: {  	s23 =	sshll.u32 s22, $0x10  }
0x54: {  	s24 =	smul.u32 $0x10200, s22;
	s23 =	sshra.s32 s23, $0x2  }
0x55: {  	s31 =	simm.s32 $0x0;
	s27 =	simm.s32 $0x10;
	s25 =	sadd.s32 s23, s19  }
0x56: {  	p0 =	sne.s32 s18, $0x1;
	s28 =	simm.s32 $0x20;
	s27 =	sand.u32 $0x78, s27;
	v0 =	vmov s25  }
0x57: {  	s26 =	sand.u32 $0x3F80, s21;
	s28 =	sand.u32 $0x78, s28;
	s27 =	smul.u32 $0x204, s27  }
0x58: {  	s30 =	sshra.s32 s24, $0x2;
	s24 =	simm.s32 $0x1;
	s28 =	smul.u32 $0x204, s28  }
0x59: {  	s23 =	sadd.s32 s30, s20;
	s25 =	sand.u32 $0x78, s31;
	s30 =	simm.s32 $0x30  }
0x5a: {  	s31 =	sand.u32 $0x7F, s21;
	s29 =	sxor.u32 $0x40, s25;
	s25 =	smul.u32 $0x204, s25  }
0x5b: {  	s30 =	sand.u32 $0x78, s30;
	s27 =	sshrl.u32 s27, $0x2;
	s29 =	smul.u32 $0x204, s29;
	v3 =	vld.idx.msk [tilespmem:v0+s26+$0x40 ss:$0x1], $0xffff  }
0x5c: {  	s28 =	sshrl.u32 s28, $0x2;
	s30 =	smul.u32 $0x204, s30;
	s27 =	sadd.s32 s27, s23;
	v4 =	vld.idx.msk [tilespmem:v0+s26+$0x0 ss:$0x1], $0xffff  }
.Ltmp4:
0x5d: {  	s28 =	sadd.s32 s28, s23;
	s29 =	sshrl.u32 s29, $0x2;
	(pc) =	sbr.rel @!p0 .LBB1_6-.Ltmp4, $4  }
0x5e: {  	s25 =	sshrl.u32 s25, $0x2;
	s28 =	sadd.s32 s31, s28;
	s29 =	sadd.s32 s29, s23;
	v1 =	vld.idx.msk [tilespmem:v0+s26+$0x10 ss:$0x1], $0xffff  }
0x5f: {  	s25 =	sadd.s32 s25, s23;
	s30 =	sshrl.u32 s30, $0x2;
	s29 =	sadd.s32 s31, s29  }
0x60: {  	s25 =	sadd.s32 s31, s25;
	v2 =	vld.idx.msk [tilespmem:v0+s26+$0x20 ss:$0x1], $0xffff;
	[tilespmem:s29+$0x0 ss:$0x81] =	vst.msk $0xffff, v3;
	s29 =	sadd.s32 s31, s27;
	s27 =	sadd.s32 s30, s23  }
0x61: {  	v3 =	vld.idx.msk [tilespmem:v0+s26+$0x30 ss:$0x1], $0xffff;
	[tilespmem:s25+$0x0 ss:$0x81] =	vst.msk $0xffff, v4;
	s25 =	simm.s32 $0x1808;
	s26 =	simm.s32 $0x0;
	s27 =	sadd.s32 s31, s27  }
.LBB1_5:
0x62: {  	s30 =	sadd.s32 $0xFFFFE800, s25  }
0x63: {  	s31 =	sadd.s32 $0xFFFFF000, s25;
	[tilespmem:s29+$0x0 ss:$0x81] =	vst.msk $0xffff, v1;
	s29 =	smov.u32 s24;
	s24 =	sadd.s32 $0x1, s24  }
0x64: {  	s26 =	sadd.s32 $0x80, s26;
	s0 =	sadd.s32 $0xFFFFF800, s25;
	s2 =	sshrl.u32 s25, $0x7  }
0x65: {  	s30 =	sshrl.u32 s30, $0x7;
	p0 =	sne.s32 s18, s24;
	[tilespmem:s28+$0x0 ss:$0x81] =	vst.msk $0xffff, v2;
	s28 =	sand.u32 $0x3F80, s26  }
0x66: {  	s0 =	sshrl.u32 s0, $0x7;
	s2 =	sand.u32 $0x78, s2;
	s30 =	sand.u32 $0x78, s30;
	[tilespmem:s27+$0x0 ss:$0x81] =	vst.msk $0xffff, v3  }
0x67: {  	s27 =	sshrl.u32 s31, $0x7;
	s2 =	smul.u32 $0x204, s2;
	v4 =	vld.idx.msk [tilespmem:v0+s28+$0x40 ss:$0x1], $0xffff;
	s31 =	sxor.u32 $0x40, s30  }
0x68: {  	s27 =	sand.u32 $0x78, s27;
	v5 =	vld.idx.msk [tilespmem:v0+s28+$0x0 ss:$0x1], $0xffff;
	s31 =	smul.u32 $0x204, s31  }
0x69: {  	s0 =	sand.u32 $0x78, s0;
	s30 =	smul.u32 $0x204, s30;
	v1 =	vld.idx.msk [tilespmem:v0+s28+$0x10 ss:$0x1], $0xffff  }
0x6a: {  	s27 =	smul.u32 $0x204, s27;
	v2 =	vld.idx.msk [tilespmem:v0+s28+$0x20 ss:$0x1], $0xffff;
	s31 =	sshrl.u32 s31, $0x2  }
0x6b: {  	s6 =	sand.u32 $0x7F, s29;
	s0 =	smul.u32 $0x204, s0;
	v3 =	vld.idx.msk [tilespmem:v0+s28+$0x30 ss:$0x1], $0xffff;
	s28 =	sadd.s32 s31, s23  }
.Ltmp5:
0x6c: {  	s29 =	sshrl.u32 s30, $0x2;
	s28 =	sadd.s32 s6, s28;
	(pc) =	sbr.rel @p0 .LBB1_5-.Ltmp5, $4  }
0x6d: {  	s0 =	sshrl.u32 s0, $0x2;
	s29 =	sadd.s32 s29, s23;
	s27 =	sshrl.u32 s27, $0x2;
	[tilespmem:s28+$0x0 ss:$0x81] =	vst.msk $0xffff, v4  }
0x6e: {  	s2 =	sshrl.u32 s2, $0x2;
	s0 =	sadd.s32 s0, s23;
	s27 =	sadd.s32 s27, s23  }
0x6f: {  	s2 =	sadd.s32 s2, s23;
	s28 =	sadd.s32 s6, s29;
	s29 =	sadd.s32 s6, s27  }
0x70: {  	s25 =	sadd.s32 $0x8, s25;
	s27 =	sadd.s32 s6, s2;
	[tilespmem:s28+$0x0 ss:$0x81] =	vst.msk $0xffff, v5;
	s28 =	sadd.s32 s6, s0  }
.LBB1_6:
0x71: {  	s22 =	sadd.s32 $0x1, s22  }
0x72: {  	p0 =	sne.s32 s22, s17  }
.Ltmp6:
0x73: {  	_ = 	snop;
	(pc) =	sbr.rel @p0 .LBB1_4-.Ltmp6, $4  }
.Ltmp7:
0x74: {  	_ = 	snop;
	(pc) =	sbr.rel @!p0 .LBB1_7-.Ltmp7, $4  }
0x75: {  	[tilespmem:s29+$0x0 ss:$0x81] =	vst.msk $0xffff, v1  }
0x76: {  	[tilespmem:s28+$0x0 ss:$0x81] =	vst.msk $0xffff, v2  }
0x77: {  	[tilespmem:s27+$0x0 ss:$0x81] =	vst.msk $0xffff, v3  }
0x78: {  	_ = 	snop  }
.LBB1_9:
0x79: {  	_ =	sfence.sel $0x180000  }
0x7a: {  	s0 =	simm.s32 $0x1;
	[bflag:$0x0] =	sbarrier.arrive $0xFFFF  }
0x7b: {  	s31 =	simm.s32 $0x2;
	[sflag:s0] =	ssyncpa.u1 $0x1  }
0x7c: {  	[sflag:s31] =	ssyncpa.u1 $0x1  }
0x7d: {  	_ =	strace $0x90000047  }
0x7e: {  	[bflag:$0x2] =	sbarrier.arrive $0xFFFF  }
0x7f: {  	p0 =	sne.s32 s1, $0x0;
	s0 =	rddreg [dreg:$0x2]  }
0x80: {  	s0 =	sadd.s32 @!p0 $0x100000, s0  }
0x81: {  	[sflag:s0] =	ssyncadd.tile.s32 @!p0 $0x1;
	_ =	shalt  }
.Lfunc_end1:
_tile_overlayer_lowered:
.L_overlay_start_2:
0x82: {  	(tag) =	ssettag $0x2  }
0x83: {  	s0 =	rddreg [dreg:$0x0];
	s2 =	stileid.u32  }
0x84: {  	s1 =	rddreg [dreg:$0x1];
	p0 =	sne.s32 s2, $0x0  }
0x85: {  	s3 =	rddreg [dreg:$0x2];
	[bflag:$0x3] =	sbarrier.arrive $0xFFFF;
	s2 =	simm.s32 @!p0 $0x1C01  }
0x86: {  	[timem:s3], [sflag:s2] =	dma.local @!p0 [hbm:s0], s1  }
0x87: {  	s0 =	simm.s32 @!p0 $0x1  }
0x88: {  	_ =	swait.ge @!p0 [sflag:s0], s1  }
0x89: {  	s1 =	ssub.s32 @!p0 $0x0, s1;
	[sflag:s0] =	ssyncset.done @!p0 $0x0  }
0x8a: {  	[sflag:s0] =	ssyncadd.s32 @!p0 s1  }
0x8b: {  	[bflag:$0x3] =	sbarrier.arrive $0xFFFF  }
0x8c: {  	_ =	shalt  }

</sc_bundles>
